<compile_context>
chip_gen: v7x
topology: tpu7x:2x2x1
jax: 0.10.2.dev20260603
libtpu: 0.0.44.dev20260713+nightly
codegen_flags: <defaults>
</compile_context>

<pallas_src>
import functools

import jax
import jax.numpy as jnp
from jax import lax
from jax.experimental import pallas as pl
from jax.experimental.pallas import tpu as pltpu
from jax.experimental.pallas import tpu_sc as plsc

N = 10000
NPAD = 10240
D = 128
NC, NS, L = 2, 16, 16
CHUNK = 128
CH = 80
EPAD = NC * NS * CH * CHUNK
RPT = NPAD // NS
WD = 128


@functools.cache
def _sc_kernels():
    mesh = plsc.VectorSubcoreMesh(
        core_axis_name="c", subcore_axis_name="s", num_cores=NC, num_subcores=NS)

    @functools.partial(
        pl.kernel,
        out_type=jax.ShapeDtypeStruct((NC, NPAD, WD), jnp.float32),
        mesh=mesh,
        scratch_types=[
            pltpu.VMEM((CHUNK,), jnp.int32),
            pltpu.VMEM((CHUNK, WD), jnp.float32),
            pltpu.VMEM_SHARED((NPAD, WD), jnp.float32),
        ],
    )
    def deg_kernel(dst_hbm, zeros_hbm, ones_hbm, out_hbm, dst_v, ones_v, hist_sh):
        cid = lax.axis_index("c")
        sid = lax.axis_index("s")
        sl = pl.ds(sid * RPT, RPT)
        pltpu.sync_copy(ones_hbm, ones_v)

        def zbody(i, carry):
            pltpu.sync_copy(ones_v, hist_sh.at[pl.ds(sid * RPT + i * CHUNK, CHUNK), :])
            return carry

        pltpu.sync_copy(zeros_hbm, ones_v)
        lax.fori_loop(0, RPT // CHUNK, zbody, 0)
        pltpu.sync_copy(ones_hbm, ones_v)
        plsc.subcore_barrier()

        def body(j, carry):
            pltpu.sync_copy(dst_hbm.at[cid, sid, j], dst_v)
            pltpu.sync_copy(ones_v, hist_sh.at[dst_v], add=True)
            return carry

        lax.fori_loop(0, CH, body, 0)
        plsc.subcore_barrier()
        pltpu.sync_copy(hist_sh.at[sl, :], out_hbm.at[cid, sl, :])

    @functools.partial(
        pl.kernel,
        out_type=jax.ShapeDtypeStruct((NC, NPAD, D), jnp.float32),
        mesh=mesh,
        scratch_types=[
            pltpu.VMEM((CHUNK,), jnp.int32),
            pltpu.VMEM((CHUNK,), jnp.int32),
            pltpu.VMEM((CHUNK,), jnp.int32),
            pltpu.VMEM((CHUNK,), jnp.int32),
            pltpu.VMEM((CHUNK, D), jnp.float32),
            pltpu.VMEM((CHUNK, D), jnp.float32),
            pltpu.VMEM_SHARED((NPAD, D), jnp.float32),
            pltpu.SemaphoreType.DMA,
            pltpu.SemaphoreType.DMA,
            pltpu.SemaphoreType.DMA,
            pltpu.SemaphoreType.DMA,
        ],
    )
    def agg_kernel(y_hbm, src_hbm, dst_hbm, zeros_hbm, out_hbm,
                   src_a, dst_a, src_b, dst_b, rows_a, rows_b, agg_sh,
                   gsem_a, gsem_b, ssem_a, ssem_b):
        cid = lax.axis_index("c")
        sid = lax.axis_index("s")
        sl = pl.ds(sid * RPT, RPT)

        pltpu.sync_copy(zeros_hbm, rows_a)

        def zbody(i, carry):
            pltpu.sync_copy(rows_a, agg_sh.at[pl.ds(sid * RPT + i * CHUNK, CHUNK), :])
            return carry

        lax.fori_loop(0, RPT // CHUNK, zbody, 0)
        plsc.subcore_barrier()

        def stage_fire(j, src_v, dst_v, rows_v, gsem):
            pltpu.sync_copy(src_hbm.at[cid, sid, j], src_v)
            pltpu.sync_copy(dst_hbm.at[cid, sid, j], dst_v)
            pltpu.async_copy(y_hbm.at[src_v], rows_v, gsem)

        stage_fire(0, src_a, dst_a, rows_a, gsem_a)

        def body(g, carry):
            j = 2 * g
            stage_fire(j + 1, src_b, dst_b, rows_b, gsem_b)
            pltpu.make_async_copy(y_hbm.at[src_a], rows_a, gsem_a).wait()
            pltpu.async_copy(rows_a, agg_sh.at[dst_a], ssem_a, add=True)

            @pl.when(j + 2 < CH)
            def _():
                pltpu.make_async_copy(rows_a, agg_sh.at[dst_a], ssem_a).wait()
                stage_fire(j + 2, src_a, dst_a, rows_a, gsem_a)

            @pl.when(j + 2 >= CH)
            def _():
                pltpu.make_async_copy(rows_a, agg_sh.at[dst_a], ssem_a).wait()

            pltpu.make_async_copy(y_hbm.at[src_b], rows_b, gsem_b).wait()
            pltpu.async_copy(rows_b, agg_sh.at[dst_b], ssem_b, add=True)
            pltpu.make_async_copy(rows_b, agg_sh.at[dst_b], ssem_b).wait()
            return carry

        lax.fori_loop(0, CH // 2, body, 0)
        plsc.subcore_barrier()
        pltpu.sync_copy(agg_sh.at[sl, :], out_hbm.at[cid, sl, :])

    return deg_kernel, agg_kernel


def _sc_deg(dst, zeros, ones):
    return _sc_kernels()[0](dst, zeros, ones)


def _sc_agg(y, src, dst, zeros):
    return _sc_kernels()[1](y, src, dst, zeros)


BR = 400
GRID = N // BR


def _tc1_body(degp_ref, x_ref, w_ref, y_ref, dis_ref):
    d = degp_ref[0, :, 0:1] + degp_ref[1, :, 0:1] + 1.0
    dis = lax.rsqrt(d)
    xw = jnp.dot(x_ref[...], w_ref[...], preferred_element_type=jnp.float32, precision=lax.Precision.HIGHEST)
    y_ref[...] = xw * dis
    dis_ref[...] = dis


def _tc2_body(aggp_ref, y1_ref, dis_ref, b1_ref, w2_ref, y2_ref):
    agg = aggp_ref[0] + aggp_ref[1] + y1_ref[...]
    hidden = agg * dis_ref[...] + b1_ref[...]
    h = jnp.maximum(hidden, 0.0)
    y2_ref[...] = jnp.dot(h, w2_ref[...], preferred_element_type=jnp.float32, precision=lax.Precision.HIGHEST) * dis_ref[...]


def _tc3_body(aggp_ref, y2_ref, dis_ref, b2_ref, logp_ref, out_ref):
    out = (aggp_ref[0] + aggp_ref[1] + y2_ref[...]) * dis_ref[...] + b2_ref[...]
    m = jnp.max(out, axis=1, keepdims=True)
    lse = jnp.log(jnp.sum(jnp.exp(out - m), axis=1, keepdims=True)) + m
    logp_ref[...] = out - lse
    out_ref[...] = out


_row_spec = pl.BlockSpec((BR, D), lambda i: (i, 0))
_dis_spec = pl.BlockSpec((BR, 1), lambda i: (i, 0))
_w_spec = pl.BlockSpec((D, D), lambda i: (0, 0))
_b_spec = pl.BlockSpec((1, D), lambda i: (0, 0))
_aggp_spec = pl.BlockSpec((NC, BR, D), lambda i: (0, i, 0))

_tc1 = pl.pallas_call(
    _tc1_body,
    grid=(GRID,),
    in_specs=[pl.BlockSpec((NC, BR, WD), lambda i: (0, i, 0)), _row_spec, _w_spec],
    out_specs=[_row_spec, _dis_spec],
    out_shape=[jax.ShapeDtypeStruct((NPAD, D), jnp.float32),
               jax.ShapeDtypeStruct((N, 1), jnp.float32)],
)

_tc2 = pl.pallas_call(
    _tc2_body,
    grid=(GRID,),
    in_specs=[_aggp_spec, _row_spec, _dis_spec, _b_spec, _w_spec],
    out_specs=_row_spec,
    out_shape=jax.ShapeDtypeStruct((NPAD, D), jnp.float32),
)

_tc3 = pl.pallas_call(
    _tc3_body,
    grid=(GRID,),
    in_specs=[_aggp_spec, _row_spec, _dis_spec, _b_spec],
    out_specs=[_row_spec, _row_spec],
    out_shape=[jax.ShapeDtypeStruct((N, D), jnp.float32),
               jax.ShapeDtypeStruct((N, D), jnp.float32)],
)


def kernel(x, edge_index, W1, b1, W2, b2):
    ei = edge_index.astype(jnp.int32)
    n_edges = ei.shape[1]
    pad = EPAD - n_edges
    pad_src = jnp.arange(pad, dtype=jnp.int32) % N
    pad_dst = N + jnp.arange(pad, dtype=jnp.int32) % (NPAD - N)
    src = jnp.concatenate([ei[0], pad_src]).reshape(NC, NS, CH, CHUNK)
    dst = jnp.concatenate([ei[1], pad_dst]).reshape(NC, NS, CH, CHUNK)

    zeros = jnp.zeros((CHUNK, D), jnp.float32)
    ones = jnp.ones((CHUNK, WD), jnp.float32)
    zeros_w = jnp.zeros((CHUNK, WD), jnp.float32)
    b1r = b1.reshape(1, D)
    b2r = b2.reshape(1, D)

    degp = _sc_deg(dst, zeros_w, ones)
    y1, dis = _tc1(degp, x, W1)
    aggp1 = _sc_agg(y1, src, dst, zeros)
    y2 = _tc2(aggp1, y1, dis, b1r, W2)
    aggp2 = _sc_agg(y2, src, dst, zeros)
    logp, out = _tc3(aggp2, y2, dis, b2r)
    return (logp, out)

# --- scband reference (transcript-rebuilt; emitter-appended) ---
"""Pipeline reference for scband-gcn-31241592111523 (READ-ONLY COPY).

The authoritative reference and input builder live on the scoring server;
editing this copy changes nothing except your own understanding.
"""

import jax, jax.numpy as jnp
import numpy as np

N_NODES = 10000
N_EDGES = 320000
D_IN = 128
D_HID = 128
D_OUT = 128


def setup_inputs(seed: int = 0) -> dict:
    key = jax.random.key(seed)
    k1, k2, k3, k4, k5, k6 = jax.random.split(key, 6)
    x = jax.random.normal(k1, (N_NODES, D_IN), dtype=jnp.float32)
    edge_index = jax.random.randint(k2, (2, N_EDGES), 0, N_NODES, dtype=jnp.int64)
    # GCNConv linear weights (Glorot-style scale) and biases
    W1 = jax.random.normal(k3, (D_IN, D_HID), dtype=jnp.float32) * (1.0 / np.sqrt(D_IN))
    b1 = jnp.zeros((D_HID,), dtype=jnp.float32)
    W2 = jax.random.normal(k4, (D_HID, D_OUT), dtype=jnp.float32) * (1.0 / np.sqrt(D_HID))
    b2 = jnp.zeros((D_OUT,), dtype=jnp.float32)
    return {"x": x, "edge_index": edge_index, "W1": W1, "b1": b1, "W2": W2, "b2": b2}


def _gcn_conv(x, edge_index, W, b):
    # Faithful GCNConv: add self-loops, symmetric normalization D^-1/2 A D^-1/2, linear, aggregate, bias
    N = x.shape[0]
    loop = jnp.arange(N, dtype=edge_index.dtype)
    src = jnp.concatenate([edge_index[0], loop])
    dst = jnp.concatenate([edge_index[1], loop])
    xw = x @ W
    deg = jnp.zeros((N,), dtype=xw.dtype).at[dst].add(1.0)
    deg_inv_sqrt = jnp.where(deg > 0, deg ** -0.5, 0.0)
    norm = deg_inv_sqrt[src] * deg_inv_sqrt[dst]
    msgs = norm[:, None] * jnp.take(xw, src, axis=0)
    out = jnp.zeros((N, W.shape[1]), dtype=xw.dtype).at[dst].add(msgs)
    return out + b


def reference(x, edge_index, W1, b1, W2, b2):
    hidden = _gcn_conv(x, edge_index, W1, b1)
    h = jax.nn.relu(hidden)
    output = _gcn_conv(h, edge_index, W2, b2)
    return (jax.nn.log_softmax(output, axis=1), output)

if __name__ == "__main__":
    import jax
    _d = setup_inputs()
    print(jax.jit(kernel)(*tuple(_d.values())))

</pallas_src>

<mosaic_0001>
#map = affine_map<(d0, d1) -> (0, 0, 0, 0)>
#map1 = affine_map<(d0, d1) -> (0, 0)>
#map2 = affine_map<(d0, d1) -> (0, 0, 0)>
module attributes {stable_mosaic.version = 14 : i64} {
  func.func @deg_kernel(%arg0: i32, %arg1: i32, %arg2: memref<2x16x80x128xi32, #tpu.memory_space<hbm>>, %arg3: memref<128x128xf32, #tpu.memory_space<hbm>>, %arg4: memref<128x128xf32, #tpu.memory_space<hbm>>, %arg5: memref<2x10240x128xf32, #tpu.memory_space<hbm>>, %arg6: memref<128xi32, #tpu.memory_space<vmem>>, %arg7: memref<128x128xf32, #tpu.memory_space<vmem>>, %arg8: memref<10240x128xf32, #tpu.memory_space<vmem_shared>>) attributes {dimension_semantics = [#tpu.dimension_semantics<core_parallel>, #tpu.dimension_semantics<subcore_parallel>], iteration_bounds = array<i64: 2, 16>, scalar_prefetch = 0 : i64, scratch_operands = 3 : i64, tpu.core_type = #tpu.core_type<sc_vector_subcore>, window_params = [{transform_indices = #map}, {transform_indices = #map1}, {transform_indices = #map1}, {transform_indices = #map2}]} {
    %mul3A = arith.constant 640 : i32
    %mul3A_0 = arith.muli %arg1, %mul3A : i32
    "tpu.region"() ({
      %run_scoped3A = tpu.sem_alloc : memref<!tpu.dma_semaphore, #tpu.memory_space<semaphore_mem>>
      tpu.enqueue_dma source(%arg4 : memref<128x128xf32, #tpu.memory_space<hbm>>) target(%arg7 : memref<128x128xf32, #tpu.memory_space<vmem>>) target_semaphore(%run_scoped3A : memref<!tpu.dma_semaphore, #tpu.memory_space<semaphore_mem>>)
      tpu.wait_dma2 semaphore(%run_scoped3A : memref<!tpu.dma_semaphore, #tpu.memory_space<semaphore_mem>>) src(%arg4 : memref<128x128xf32, #tpu.memory_space<hbm>>) dst(%arg7 : memref<128x128xf32, #tpu.memory_space<vmem>>)
      tpu.yield
    }) : () -> ()
    "tpu.region"() ({
      %run_scoped3A = tpu.sem_alloc : memref<!tpu.dma_semaphore, #tpu.memory_space<semaphore_mem>>
      tpu.enqueue_dma source(%arg3 : memref<128x128xf32, #tpu.memory_space<hbm>>) target(%arg7 : memref<128x128xf32, #tpu.memory_space<vmem>>) target_semaphore(%run_scoped3A : memref<!tpu.dma_semaphore, #tpu.memory_space<semaphore_mem>>)
      tpu.wait_dma2 semaphore(%run_scoped3A : memref<!tpu.dma_semaphore, #tpu.memory_space<semaphore_mem>>) src(%arg3 : memref<128x128xf32, #tpu.memory_space<hbm>>) dst(%arg7 : memref<128x128xf32, #tpu.memory_space<vmem>>)
      tpu.yield
    }) : () -> ()
    %scan3A = arith.constant 0 : i32
    %scan3A_1 = arith.constant 0 : i32
    %scan3A_2 = arith.constant 5 : i32
    %scan3A_3 = arith.addi %scan3A_1, %scan3A_2 : i32
    %scan3A_4 = arith.constant 1 : i32
    scf.for %scan3A_13 = %scan3A_1 to %scan3A_3 step %scan3A_4  : i32 {
      %mul3A_14 = arith.constant 640 : i32
      %mul3A_15 = arith.muli %arg1, %mul3A_14 : i32
      %mul3A_16 = arith.constant 128 : i32
      %mul3A_17 = arith.muli %scan3A_13, %mul3A_16 : i32
      %add3A = arith.addi %mul3A_15, %mul3A_17 : i32
      "tpu.region"() ({
        %run_scoped3A = tpu.sem_alloc : memref<!tpu.dma_semaphore, #tpu.memory_space<semaphore_mem>>
        %dma_start3A = arith.constant 0 : i32
        %dma_start3A_18 = tpu.memref_slice %arg8[%add3A, %dma_start3A] : memref<10240x128xf32, #tpu.memory_space<vmem_shared>> -> memref<128x128xf32, #tpu.memory_space<vmem_shared>>
        %dma_start3A_19 = arith.constant 0 : i32
        %dma_start3A_20 = tpu.memref_slice %arg8[%add3A, %dma_start3A_19] : memref<10240x128xf32, #tpu.memory_space<vmem_shared>> -> memref<128x128xf32, #tpu.memory_space<vmem_shared>>
        tpu.enqueue_dma source(%arg7 : memref<128x128xf32, #tpu.memory_space<vmem>>) target(%dma_start3A_20 : memref<128x128xf32, #tpu.memory_space<vmem_shared>>) target_semaphore(%run_scoped3A : memref<!tpu.dma_semaphore, #tpu.memory_space<semaphore_mem>>)
        %dma_wait3A = arith.constant 0 : i32
        %dma_wait3A_21 = tpu.memref_slice %arg8[%add3A, %dma_wait3A] : memref<10240x128xf32, #tpu.memory_space<vmem_shared>> -> memref<128x128xf32, #tpu.memory_space<vmem_shared>>
        %dma_wait3A_22 = arith.constant 0 : i32
        %dma_wait3A_23 = tpu.memref_slice %arg8[%add3A, %dma_wait3A_22] : memref<10240x128xf32, #tpu.memory_space<vmem_shared>> -> memref<128x128xf32, #tpu.memory_space<vmem_shared>>
        tpu.wait_dma2 semaphore(%run_scoped3A : memref<!tpu.dma_semaphore, #tpu.memory_space<semaphore_mem>>) src(%arg7 : memref<128x128xf32, #tpu.memory_space<vmem>>) dst(%dma_wait3A_23 : memref<128x128xf32, #tpu.memory_space<vmem_shared>>)
        tpu.yield
      }) : () -> ()
    }
    %scan3A_5 = arith.constant 5 : i32
    "tpu.region"() ({
      %run_scoped3A = tpu.sem_alloc : memref<!tpu.dma_semaphore, #tpu.memory_space<semaphore_mem>>
      tpu.enqueue_dma source(%arg4 : memref<128x128xf32, #tpu.memory_space<hbm>>) target(%arg7 : memref<128x128xf32, #tpu.memory_space<vmem>>) target_semaphore(%run_scoped3A : memref<!tpu.dma_semaphore, #tpu.memory_space<semaphore_mem>>)
      tpu.wait_dma2 semaphore(%run_scoped3A : memref<!tpu.dma_semaphore, #tpu.memory_space<semaphore_mem>>) src(%arg4 : memref<128x128xf32, #tpu.memory_space<hbm>>) dst(%arg7 : memref<128x128xf32, #tpu.memory_space<vmem>>)
      tpu.yield
    }) : () -> ()
    %barrier3A = arith.constant 0 : index
    tpu.barrier barrier_id(%barrier3A)
    %scan3A_6 = arith.constant 0 : i32
    %scan3A_7 = arith.constant 0 : i32
    %scan3A_8 = arith.constant 80 : i32
    %scan3A_9 = arith.addi %scan3A_7, %scan3A_8 : i32
    %scan3A_10 = arith.constant 1 : i32
    scf.for %scan3A_13 = %scan3A_7 to %scan3A_9 step %scan3A_10  : i32 {
      "tpu.region"() ({
        %run_scoped3A = tpu.sem_alloc : memref<!tpu.dma_semaphore, #tpu.memory_space<semaphore_mem>>
        %dma_start3A = arith.constant 0 : i32
        %dma_start3A_14 = tpu.memref_slice %arg2[%arg0, %arg1, %scan3A_13, %dma_start3A] : memref<2x16x80x128xi32, #tpu.memory_space<hbm>> -> memref<1x1x1x128xi32, #tpu.memory_space<hbm>>
        %dma_start3A_15 = tpu.memref_squeeze %dma_start3A_14 : memref<1x1x1x128xi32, #tpu.memory_space<hbm>> -> memref<128xi32, #tpu.memory_space<hbm>>
        %dma_start3A_16 = arith.constant 0 : i32
        %dma_start3A_17 = tpu.memref_slice %arg2[%arg0, %arg1, %scan3A_13, %dma_start3A_16] : memref<2x16x80x128xi32, #tpu.memory_space<hbm>> -> memref<1x1x1x128xi32, #tpu.memory_space<hbm>>
        %dma_start3A_18 = tpu.memref_squeeze %dma_start3A_17 : memref<1x1x1x128xi32, #tpu.memory_space<hbm>> -> memref<128xi32, #tpu.memory_space<hbm>>
        tpu.enqueue_dma source(%dma_start3A_18 : memref<128xi32, #tpu.memory_space<hbm>>) target(%arg6 : memref<128xi32, #tpu.memory_space<vmem>>) target_semaphore(%run_scoped3A : memref<!tpu.dma_semaphore, #tpu.memory_space<semaphore_mem>>)
        %dma_wait3A = arith.constant 0 : i32
        %dma_wait3A_19 = tpu.memref_slice %arg2[%arg0, %arg1, %scan3A_13, %dma_wait3A] : memref<2x16x80x128xi32, #tpu.memory_space<hbm>> -> memref<1x1x1x128xi32, #tpu.memory_space<hbm>>
        %dma_wait3A_20 = tpu.memref_squeeze %dma_wait3A_19 : memref<1x1x1x128xi32, #tpu.memory_space<hbm>> -> memref<128xi32, #tpu.memory_space<hbm>>
        %dma_wait3A_21 = arith.constant 0 : i32
        %dma_wait3A_22 = tpu.memref_slice %arg2[%arg0, %arg1, %scan3A_13, %dma_wait3A_21] : memref<2x16x80x128xi32, #tpu.memory_space<hbm>> -> memref<1x1x1x128xi32, #tpu.memory_space<hbm>>
        %dma_wait3A_23 = tpu.memref_squeeze %dma_wait3A_22 : memref<1x1x1x128xi32, #tpu.memory_space<hbm>> -> memref<128xi32, #tpu.memory_space<hbm>>
        tpu.wait_dma2 semaphore(%run_scoped3A : memref<!tpu.dma_semaphore, #tpu.memory_space<semaphore_mem>>) src(%dma_wait3A_23 : memref<128xi32, #tpu.memory_space<hbm>>) dst(%arg6 : memref<128xi32, #tpu.memory_space<vmem>>)
        tpu.yield
      }) : () -> ()
      "tpu.region"() ({
        %run_scoped3A = tpu.sem_alloc : memref<!tpu.dma_semaphore, #tpu.memory_space<semaphore_mem>>
        %dma_start3A = arith.constant 0 : i32
        %dma_start3A_14 = arith.constant 0 : i32
        %dma_start3A_15 = tpu.memref_slice %arg8[%dma_start3A, %dma_start3A_14] : memref<10240x128xf32, #tpu.memory_space<vmem_shared>> -> memref<10240x128xf32, #tpu.memory_space<vmem_shared>>
        tpu.enqueue_indirect_dma source(%arg7 : memref<128x128xf32, #tpu.memory_space<vmem>>) target(%dma_start3A_15 : memref<10240x128xf32, #tpu.memory_space<vmem_shared>>) offsets(%arg6 : memref<128xi32, #tpu.memory_space<vmem>>) semaphore(%run_scoped3A : memref<!tpu.dma_semaphore, #tpu.memory_space<semaphore_mem>>) {add = true}
        %dma_wait3A = arith.constant 0 : i32
        %dma_wait3A_16 = arith.constant 0 : i32
        %dma_wait3A_17 = tpu.memref_slice %arg8[%dma_wait3A, %dma_wait3A_16] : memref<10240x128xf32, #tpu.memory_space<vmem_shared>> -> memref<10240x128xf32, #tpu.memory_space<vmem_shared>>
        tpu.wait_indirect_dma semaphore(%run_scoped3A : memref<!tpu.dma_semaphore, #tpu.memory_space<semaphore_mem>>) src(%arg7 : memref<128x128xf32, #tpu.memory_space<vmem>>) dst(%dma_wait3A_17 : memref<10240x128xf32, #tpu.memory_space<vmem_shared>>)
        tpu.yield
      }) : () -> ()
    }
    %scan3A_11 = arith.constant 80 : i32
    %barrier3A_12 = arith.constant 0 : index
    tpu.barrier barrier_id(%barrier3A_12)
    "tpu.region"() ({
      %run_scoped3A = tpu.sem_alloc : memref<!tpu.dma_semaphore, #tpu.memory_space<semaphore_mem>>
      %dma_start3A = arith.constant 0 : i32
      %dma_start3A_13 = tpu.memref_slice %arg5[%arg0, %mul3A_0, %dma_start3A] : memref<2x10240x128xf32, #tpu.memory_space<hbm>> -> memref<1x640x128xf32, #tpu.memory_space<hbm>>
      %dma_start3A_14 = tpu.memref_squeeze %dma_start3A_13 : memref<1x640x128xf32, #tpu.memory_space<hbm>> -> memref<640x128xf32, #tpu.memory_space<hbm>>
      %dma_start3A_15 = arith.constant 0 : i32
      %dma_start3A_16 = tpu.memref_slice %arg8[%mul3A_0, %dma_start3A_15] : memref<10240x128xf32, #tpu.memory_space<vmem_shared>> -> memref<640x128xf32, #tpu.memory_space<vmem_shared>>
      tpu.enqueue_dma source(%dma_start3A_16 : memref<640x128xf32, #tpu.memory_space<vmem_shared>>) target(%dma_start3A_14 : memref<640x128xf32, #tpu.memory_space<hbm>>) target_semaphore(%run_scoped3A : memref<!tpu.dma_semaphore, #tpu.memory_space<semaphore_mem>>)
      %dma_wait3A = arith.constant 0 : i32
      %dma_wait3A_17 = tpu.memref_slice %arg5[%arg0, %mul3A_0, %dma_wait3A] : memref<2x10240x128xf32, #tpu.memory_space<hbm>> -> memref<1x640x128xf32, #tpu.memory_space<hbm>>
      %dma_wait3A_18 = tpu.memref_squeeze %dma_wait3A_17 : memref<1x640x128xf32, #tpu.memory_space<hbm>> -> memref<640x128xf32, #tpu.memory_space<hbm>>
      %dma_wait3A_19 = arith.constant 0 : i32
      %dma_wait3A_20 = tpu.memref_slice %arg8[%mul3A_0, %dma_wait3A_19] : memref<10240x128xf32, #tpu.memory_space<vmem_shared>> -> memref<640x128xf32, #tpu.memory_space<vmem_shared>>
      tpu.wait_dma2 semaphore(%run_scoped3A : memref<!tpu.dma_semaphore, #tpu.memory_space<semaphore_mem>>) src(%dma_wait3A_20 : memref<640x128xf32, #tpu.memory_space<vmem_shared>>) dst(%dma_wait3A_18 : memref<640x128xf32, #tpu.memory_space<hbm>>)
      tpu.yield
    }) : () -> ()
    return
  }
}

#map = affine_map<(d0, d1) -> (0, 0)>
#map1 = affine_map<(d0, d1) -> (0, 0, 0, 0)>
#map2 = affine_map<(d0, d1) -> (0, 0, 0)>
module attributes {stable_mosaic.version = 14 : i64} {
  func.func @agg_kernel(%arg0: i32, %arg1: i32, %arg2: memref<10240x128xf32, #tpu.memory_space<hbm>>, %arg3: memref<2x16x80x128xi32, #tpu.memory_space<hbm>>, %arg4: memref<2x16x80x128xi32, #tpu.memory_space<hbm>>, %arg5: memref<128x128xf32, #tpu.memory_space<hbm>>, %arg6: memref<2x10240x128xf32, #tpu.memory_space<hbm>>, %arg7: memref<128xi32, #tpu.memory_space<vmem>>, %arg8: memref<128xi32, #tpu.memory_space<vmem>>, %arg9: memref<128xi32, #tpu.memory_space<vmem>>, %arg10: memref<128xi32, #tpu.memory_space<vmem>>, %arg11: memref<128x128xf32, #tpu.memory_space<vmem>>, %arg12: memref<128x128xf32, #tpu.memory_space<vmem>>, %arg13: memref<10240x128xf32, #tpu.memory_space<vmem_shared>>, %arg14: memref<!tpu.dma_semaphore, #tpu.memory_space<semaphore_mem>>, %arg15: memref<!tpu.dma_semaphore, #tpu.memory_space<semaphore_mem>>, %arg16: memref<!tpu.dma_semaphore, #tpu.memory_space<semaphore_mem>>, %arg17: memref<!tpu.dma_semaphore, #tpu.memory_space<semaphore_mem>>) attributes {dimension_semantics = [#tpu.dimension_semantics<core_parallel>, #tpu.dimension_semantics<subcore_parallel>], iteration_bounds = array<i64: 2, 16>, scalar_prefetch = 0 : i64, scratch_operands = 11 : i64, tpu.core_type = #tpu.core_type<sc_vector_subcore>, window_params = [{transform_indices = #map}, {transform_indices = #map1}, {transform_indices = #map1}, {transform_indices = #map}, {transform_indices = #map2}]} {
    %mul3A = arith.constant 640 : i32
    %mul3A_0 = arith.muli %arg1, %mul3A : i32
    "tpu.region"() ({
      %run_scoped3A_16 = tpu.sem_alloc : memref<!tpu.dma_semaphore, #tpu.memory_space<semaphore_mem>>
      tpu.enqueue_dma source(%arg5 : memref<128x128xf32, #tpu.memory_space<hbm>>) target(%arg11 : memref<128x128xf32, #tpu.memory_space<vmem>>) target_semaphore(%run_scoped3A_16 : memref<!tpu.dma_semaphore, #tpu.memory_space<semaphore_mem>>)
      tpu.wait_dma2 semaphore(%run_scoped3A_16 : memref<!tpu.dma_semaphore, #tpu.memory_space<semaphore_mem>>) src(%arg5 : memref<128x128xf32, #tpu.memory_space<hbm>>) dst(%arg11 : memref<128x128xf32, #tpu.memory_space<vmem>>)
      tpu.yield
    }) : () -> ()
    %scan3A = arith.constant 0 : i32
    %scan3A_1 = arith.constant 0 : i32
    %scan3A_2 = arith.constant 5 : i32
    %scan3A_3 = arith.addi %scan3A_1, %scan3A_2 : i32
    %scan3A_4 = arith.constant 1 : i32
    scf.for %scan3A_16 = %scan3A_1 to %scan3A_3 step %scan3A_4  : i32 {
      %mul3A_17 = arith.constant 640 : i32
      %mul3A_18 = arith.muli %arg1, %mul3A_17 : i32
      %mul3A_19 = arith.constant 128 : i32
      %mul3A_20 = arith.muli %scan3A_16, %mul3A_19 : i32
      %add3A = arith.addi %mul3A_18, %mul3A_20 : i32
      "tpu.region"() ({
        %run_scoped3A_21 = tpu.sem_alloc : memref<!tpu.dma_semaphore, #tpu.memory_space<semaphore_mem>>
        %dma_start3A_22 = arith.constant 0 : i32
        %dma_start3A_23 = tpu.memref_slice %arg13[%add3A, %dma_start3A_22] : memref<10240x128xf32, #tpu.memory_space<vmem_shared>> -> memref<128x128xf32, #tpu.memory_space<vmem_shared>>
        %dma_start3A_24 = arith.constant 0 : i32
        %dma_start3A_25 = tpu.memref_slice %arg13[%add3A, %dma_start3A_24] : memref<10240x128xf32, #tpu.memory_space<vmem_shared>> -> memref<128x128xf32, #tpu.memory_space<vmem_shared>>
        tpu.enqueue_dma source(%arg11 : memref<128x128xf32, #tpu.memory_space<vmem>>) target(%dma_start3A_25 : memref<128x128xf32, #tpu.memory_space<vmem_shared>>) target_semaphore(%run_scoped3A_21 : memref<!tpu.dma_semaphore, #tpu.memory_space<semaphore_mem>>)
        %dma_wait3A = arith.constant 0 : i32
        %dma_wait3A_26 = tpu.memref_slice %arg13[%add3A, %dma_wait3A] : memref<10240x128xf32, #tpu.memory_space<vmem_shared>> -> memref<128x128xf32, #tpu.memory_space<vmem_shared>>
        %dma_wait3A_27 = arith.constant 0 : i32
        %dma_wait3A_28 = tpu.memref_slice %arg13[%add3A, %dma_wait3A_27] : memref<10240x128xf32, #tpu.memory_space<vmem_shared>> -> memref<128x128xf32, #tpu.memory_space<vmem_shared>>
        tpu.wait_dma2 semaphore(%run_scoped3A_21 : memref<!tpu.dma_semaphore, #tpu.memory_space<semaphore_mem>>) src(%arg11 : memref<128x128xf32, #tpu.memory_space<vmem>>) dst(%dma_wait3A_28 : memref<128x128xf32, #tpu.memory_space<vmem_shared>>)
        tpu.yield
      }) : () -> ()
    }
    %scan3A_5 = arith.constant 5 : i32
    %barrier3A = arith.constant 0 : index
    tpu.barrier barrier_id(%barrier3A)
    %run_scoped3A = arith.constant 0 : i32
    "tpu.region"() ({
      %run_scoped3A_16 = tpu.sem_alloc : memref<!tpu.dma_semaphore, #tpu.memory_space<semaphore_mem>>
      %dma_start3A_17 = arith.constant 0 : i32
      %dma_start3A_18 = tpu.memref_slice %arg3[%arg0, %arg1, %run_scoped3A, %dma_start3A_17] : memref<2x16x80x128xi32, #tpu.memory_space<hbm>> -> memref<1x1x1x128xi32, #tpu.memory_space<hbm>>
      %dma_start3A_19 = tpu.memref_squeeze %dma_start3A_18 : memref<1x1x1x128xi32, #tpu.memory_space<hbm>> -> memref<128xi32, #tpu.memory_space<hbm>>
      %dma_start3A_20 = arith.constant 0 : i32
      %dma_start3A_21 = tpu.memref_slice %arg3[%arg0, %arg1, %run_scoped3A, %dma_start3A_20] : memref<2x16x80x128xi32, #tpu.memory_space<hbm>> -> memref<1x1x1x128xi32, #tpu.memory_space<hbm>>
      %dma_start3A_22 = tpu.memref_squeeze %dma_start3A_21 : memref<1x1x1x128xi32, #tpu.memory_space<hbm>> -> memref<128xi32, #tpu.memory_space<hbm>>
      tpu.enqueue_dma source(%dma_start3A_22 : memref<128xi32, #tpu.memory_space<hbm>>) target(%arg7 : memref<128xi32, #tpu.memory_space<vmem>>) target_semaphore(%run_scoped3A_16 : memref<!tpu.dma_semaphore, #tpu.memory_space<semaphore_mem>>)
      %dma_wait3A = arith.constant 0 : i32
      %dma_wait3A_23 = tpu.memref_slice %arg3[%arg0, %arg1, %run_scoped3A, %dma_wait3A] : memref<2x16x80x128xi32, #tpu.memory_space<hbm>> -> memref<1x1x1x128xi32, #tpu.memory_space<hbm>>
      %dma_wait3A_24 = tpu.memref_squeeze %dma_wait3A_23 : memref<1x1x1x128xi32, #tpu.memory_space<hbm>> -> memref<128xi32, #tpu.memory_space<hbm>>
      %dma_wait3A_25 = arith.constant 0 : i32
      %dma_wait3A_26 = tpu.memref_slice %arg3[%arg0, %arg1, %run_scoped3A, %dma_wait3A_25] : memref<2x16x80x128xi32, #tpu.memory_space<hbm>> -> memref<1x1x1x128xi32, #tpu.memory_space<hbm>>
      %dma_wait3A_27 = tpu.memref_squeeze %dma_wait3A_26 : memref<1x1x1x128xi32, #tpu.memory_space<hbm>> -> memref<128xi32, #tpu.memory_space<hbm>>
      tpu.wait_dma2 semaphore(%run_scoped3A_16 : memref<!tpu.dma_semaphore, #tpu.memory_space<semaphore_mem>>) src(%dma_wait3A_27 : memref<128xi32, #tpu.memory_space<hbm>>) dst(%arg7 : memref<128xi32, #tpu.memory_space<vmem>>)
      tpu.yield
    }) : () -> ()
    %run_scoped3A_6 = arith.constant 0 : i32
    "tpu.region"() ({
      %run_scoped3A_16 = tpu.sem_alloc : memref<!tpu.dma_semaphore, #tpu.memory_space<semaphore_mem>>
      %dma_start3A_17 = arith.constant 0 : i32
      %dma_start3A_18 = tpu.memref_slice %arg4[%arg0, %arg1, %run_scoped3A_6, %dma_start3A_17] : memref<2x16x80x128xi32, #tpu.memory_space<hbm>> -> memref<1x1x1x128xi32, #tpu.memory_space<hbm>>
      %dma_start3A_19 = tpu.memref_squeeze %dma_start3A_18 : memref<1x1x1x128xi32, #tpu.memory_space<hbm>> -> memref<128xi32, #tpu.memory_space<hbm>>
      %dma_start3A_20 = arith.constant 0 : i32
      %dma_start3A_21 = tpu.memref_slice %arg4[%arg0, %arg1, %run_scoped3A_6, %dma_start3A_20] : memref<2x16x80x128xi32, #tpu.memory_space<hbm>> -> memref<1x1x1x128xi32, #tpu.memory_space<hbm>>
      %dma_start3A_22 = tpu.memref_squeeze %dma_start3A_21 : memref<1x1x1x128xi32, #tpu.memory_space<hbm>> -> memref<128xi32, #tpu.memory_space<hbm>>
      tpu.enqueue_dma source(%dma_start3A_22 : memref<128xi32, #tpu.memory_space<hbm>>) target(%arg8 : memref<128xi32, #tpu.memory_space<vmem>>) target_semaphore(%run_scoped3A_16 : memref<!tpu.dma_semaphore, #tpu.memory_space<semaphore_mem>>)
      %dma_wait3A = arith.constant 0 : i32
      %dma_wait3A_23 = tpu.memref_slice %arg4[%arg0, %arg1, %run_scoped3A_6, %dma_wait3A] : memref<2x16x80x128xi32, #tpu.memory_space<hbm>> -> memref<1x1x1x128xi32, #tpu.memory_space<hbm>>
      %dma_wait3A_24 = tpu.memref_squeeze %dma_wait3A_23 : memref<1x1x1x128xi32, #tpu.memory_space<hbm>> -> memref<128xi32, #tpu.memory_space<hbm>>
      %dma_wait3A_25 = arith.constant 0 : i32
      %dma_wait3A_26 = tpu.memref_slice %arg4[%arg0, %arg1, %run_scoped3A_6, %dma_wait3A_25] : memref<2x16x80x128xi32, #tpu.memory_space<hbm>> -> memref<1x1x1x128xi32, #tpu.memory_space<hbm>>
      %dma_wait3A_27 = tpu.memref_squeeze %dma_wait3A_26 : memref<1x1x1x128xi32, #tpu.memory_space<hbm>> -> memref<128xi32, #tpu.memory_space<hbm>>
      tpu.wait_dma2 semaphore(%run_scoped3A_16 : memref<!tpu.dma_semaphore, #tpu.memory_space<semaphore_mem>>) src(%dma_wait3A_27 : memref<128xi32, #tpu.memory_space<hbm>>) dst(%arg8 : memref<128xi32, #tpu.memory_space<vmem>>)
      tpu.yield
    }) : () -> ()
    %dma_start3A = arith.constant 0 : i32
    %dma_start3A_7 = arith.constant 0 : i32
    %dma_start3A_8 = tpu.memref_slice %arg2[%dma_start3A, %dma_start3A_7] : memref<10240x128xf32, #tpu.memory_space<hbm>> -> memref<10240x128xf32, #tpu.memory_space<hbm>>
    tpu.enqueue_indirect_dma source(%dma_start3A_8 : memref<10240x128xf32, #tpu.memory_space<hbm>>) target(%arg11 : memref<128x128xf32, #tpu.memory_space<vmem>>) offsets(%arg7 : memref<128xi32, #tpu.memory_space<vmem>>) semaphore(%arg14 : memref<!tpu.dma_semaphore, #tpu.memory_space<semaphore_mem>>)
    %scan3A_9 = arith.constant 0 : i32
    %scan3A_10 = arith.constant 0 : i32
    %scan3A_11 = arith.constant 40 : i32
    %scan3A_12 = arith.addi %scan3A_10, %scan3A_11 : i32
    %scan3A_13 = arith.constant 1 : i32
    scf.for %scan3A_16 = %scan3A_10 to %scan3A_12 step %scan3A_13  : i32 {
      %mul3A_17 = arith.constant 2 : i32
      %mul3A_18 = arith.muli %mul3A_17, %scan3A_16 : i32
      %add3A = arith.constant 1 : i32
      %add3A_19 = arith.addi %mul3A_18, %add3A : i32
      "tpu.region"() ({
        %run_scoped3A_47 = tpu.sem_alloc : memref<!tpu.dma_semaphore, #tpu.memory_space<semaphore_mem>>
        %dma_start3A_48 = arith.constant 0 : i32
        %dma_start3A_49 = tpu.memref_slice %arg3[%arg0, %arg1, %add3A_19, %dma_start3A_48] : memref<2x16x80x128xi32, #tpu.memory_space<hbm>> -> memref<1x1x1x128xi32, #tpu.memory_space<hbm>>
        %dma_start3A_50 = tpu.memref_squeeze %dma_start3A_49 : memref<1x1x1x128xi32, #tpu.memory_space<hbm>> -> memref<128xi32, #tpu.memory_space<hbm>>
        %dma_start3A_51 = arith.constant 0 : i32
        %dma_start3A_52 = tpu.memref_slice %arg3[%arg0, %arg1, %add3A_19, %dma_start3A_51] : memref<2x16x80x128xi32, #tpu.memory_space<hbm>> -> memref<1x1x1x128xi32, #tpu.memory_space<hbm>>
        %dma_start3A_53 = tpu.memref_squeeze %dma_start3A_52 : memref<1x1x1x128xi32, #tpu.memory_space<hbm>> -> memref<128xi32, #tpu.memory_space<hbm>>
        tpu.enqueue_dma source(%dma_start3A_53 : memref<128xi32, #tpu.memory_space<hbm>>) target(%arg9 : memref<128xi32, #tpu.memory_space<vmem>>) target_semaphore(%run_scoped3A_47 : memref<!tpu.dma_semaphore, #tpu.memory_space<semaphore_mem>>)
        %dma_wait3A_54 = arith.constant 0 : i32
        %dma_wait3A_55 = tpu.memref_slice %arg3[%arg0, %arg1, %add3A_19, %dma_wait3A_54] : memref<2x16x80x128xi32, #tpu.memory_space<hbm>> -> memref<1x1x1x128xi32, #tpu.memory_space<hbm>>
        %dma_wait3A_56 = tpu.memref_squeeze %dma_wait3A_55 : memref<1x1x1x128xi32, #tpu.memory_space<hbm>> -> memref<128xi32, #tpu.memory_space<hbm>>
        %dma_wait3A_57 = arith.constant 0 : i32
        %dma_wait3A_58 = tpu.memref_slice %arg3[%arg0, %arg1, %add3A_19, %dma_wait3A_57] : memref<2x16x80x128xi32, #tpu.memory_space<hbm>> -> memref<1x1x1x128xi32, #tpu.memory_space<hbm>>
        %dma_wait3A_59 = tpu.memref_squeeze %dma_wait3A_58 : memref<1x1x1x128xi32, #tpu.memory_space<hbm>> -> memref<128xi32, #tpu.memory_space<hbm>>
        tpu.wait_dma2 semaphore(%run_scoped3A_47 : memref<!tpu.dma_semaphore, #tpu.memory_space<semaphore_mem>>) src(%dma_wait3A_59 : memref<128xi32, #tpu.memory_space<hbm>>) dst(%arg9 : memref<128xi32, #tpu.memory_space<vmem>>)
        tpu.yield
      }) : () -> ()
      "tpu.region"() ({
        %run_scoped3A_47 = tpu.sem_alloc : memref<!tpu.dma_semaphore, #tpu.memory_space<semaphore_mem>>
        %dma_start3A_48 = arith.constant 0 : i32
        %dma_start3A_49 = tpu.memref_slice %arg4[%arg0, %arg1, %add3A_19, %dma_start3A_48] : memref<2x16x80x128xi32, #tpu.memory_space<hbm>> -> memref<1x1x1x128xi32, #tpu.memory_space<hbm>>
        %dma_start3A_50 = tpu.memref_squeeze %dma_start3A_49 : memref<1x1x1x128xi32, #tpu.memory_space<hbm>> -> memref<128xi32, #tpu.memory_space<hbm>>
        %dma_start3A_51 = arith.constant 0 : i32
        %dma_start3A_52 = tpu.memref_slice %arg4[%arg0, %arg1, %add3A_19, %dma_start3A_51] : memref<2x16x80x128xi32, #tpu.memory_space<hbm>> -> memref<1x1x1x128xi32, #tpu.memory_space<hbm>>
        %dma_start3A_53 = tpu.memref_squeeze %dma_start3A_52 : memref<1x1x1x128xi32, #tpu.memory_space<hbm>> -> memref<128xi32, #tpu.memory_space<hbm>>
        tpu.enqueue_dma source(%dma_start3A_53 : memref<128xi32, #tpu.memory_space<hbm>>) target(%arg10 : memref<128xi32, #tpu.memory_space<vmem>>) target_semaphore(%run_scoped3A_47 : memref<!tpu.dma_semaphore, #tpu.memory_space<semaphore_mem>>)
        %dma_wait3A_54 = arith.constant 0 : i32
        %dma_wait3A_55 = tpu.memref_slice %arg4[%arg0, %arg1, %add3A_19, %dma_wait3A_54] : memref<2x16x80x128xi32, #tpu.memory_space<hbm>> -> memref<1x1x1x128xi32, #tpu.memory_space<hbm>>
        %dma_wait3A_56 = tpu.memref_squeeze %dma_wait3A_55 : memref<1x1x1x128xi32, #tpu.memory_space<hbm>> -> memref<128xi32, #tpu.memory_space<hbm>>
        %dma_wait3A_57 = arith.constant 0 : i32
        %dma_wait3A_58 = tpu.memref_slice %arg4[%arg0, %arg1, %add3A_19, %dma_wait3A_57] : memref<2x16x80x128xi32, #tpu.memory_space<hbm>> -> memref<1x1x1x128xi32, #tpu.memory_space<hbm>>
        %dma_wait3A_59 = tpu.memref_squeeze %dma_wait3A_58 : memref<1x1x1x128xi32, #tpu.memory_space<hbm>> -> memref<128xi32, #tpu.memory_space<hbm>>
        tpu.wait_dma2 semaphore(%run_scoped3A_47 : memref<!tpu.dma_semaphore, #tpu.memory_space<semaphore_mem>>) src(%dma_wait3A_59 : memref<128xi32, #tpu.memory_space<hbm>>) dst(%arg10 : memref<128xi32, #tpu.memory_space<vmem>>)
        tpu.yield
      }) : () -> ()
      %dma_start3A_20 = arith.constant 0 : i32
      %dma_start3A_21 = arith.constant 0 : i32
      %dma_start3A_22 = tpu.memref_slice %arg2[%dma_start3A_20, %dma_start3A_21] : memref<10240x128xf32, #tpu.memory_space<hbm>> -> memref<10240x128xf32, #tpu.memory_space<hbm>>
      tpu.enqueue_indirect_dma source(%dma_start3A_22 : memref<10240x128xf32, #tpu.memory_space<hbm>>) target(%arg12 : memref<128x128xf32, #tpu.memory_space<vmem>>) offsets(%arg9 : memref<128xi32, #tpu.memory_space<vmem>>) semaphore(%arg15 : memref<!tpu.dma_semaphore, #tpu.memory_space<semaphore_mem>>)
      %dma_wait3A = arith.constant 0 : i32
      %dma_wait3A_23 = arith.constant 0 : i32
      %dma_wait3A_24 = tpu.memref_slice %arg2[%dma_wait3A, %dma_wait3A_23] : memref<10240x128xf32, #tpu.memory_space<hbm>> -> memref<10240x128xf32, #tpu.memory_space<hbm>>
      tpu.wait_indirect_dma semaphore(%arg14 : memref<!tpu.dma_semaphore, #tpu.memory_space<semaphore_mem>>) src(%dma_wait3A_24 : memref<10240x128xf32, #tpu.memory_space<hbm>>) dst(%arg11 : memref<128x128xf32, #tpu.memory_space<vmem>>)
      %dma_start3A_25 = arith.constant 0 : i32
      %dma_start3A_26 = arith.constant 0 : i32
      %dma_start3A_27 = tpu.memref_slice %arg13[%dma_start3A_25, %dma_start3A_26] : memref<10240x128xf32, #tpu.memory_space<vmem_shared>> -> memref<10240x128xf32, #tpu.memory_space<vmem_shared>>
      tpu.enqueue_indirect_dma source(%arg11 : memref<128x128xf32, #tpu.memory_space<vmem>>) target(%dma_start3A_27 : memref<10240x128xf32, #tpu.memory_space<vmem_shared>>) offsets(%arg8 : memref<128xi32, #tpu.memory_space<vmem>>) semaphore(%arg16 : memref<!tpu.dma_semaphore, #tpu.memory_space<semaphore_mem>>) {add = true}
      %add3A_28 = arith.constant 2 : i32
      %add3A_29 = arith.addi %mul3A_18, %add3A_28 : i32
      %lt3A = arith.constant 80 : i32
      %lt3A_30 = arith.cmpi slt, %add3A_29, %lt3A : i32
      %convert_element_type3A = arith.extui %lt3A_30 : i1 to i32
      %cond3A = arith.constant 0 : i32
      %cond3A_31 = arith.cmpi ne, %convert_element_type3A, %cond3A : i32
      scf.if %cond3A_31 {
        %dma_wait3A_47 = arith.constant 0 : i32
        %dma_wait3A_48 = arith.constant 0 : i32
        %dma_wait3A_49 = tpu.memref_slice %arg13[%dma_wait3A_47, %dma_wait3A_48] : memref<10240x128xf32, #tpu.memory_space<vmem_shared>> -> memref<10240x128xf32, #tpu.memory_space<vmem_shared>>
        tpu.wait_indirect_dma semaphore(%arg16 : memref<!tpu.dma_semaphore, #tpu.memory_space<semaphore_mem>>) src(%arg11 : memref<128x128xf32, #tpu.memory_space<vmem>>) dst(%dma_wait3A_49 : memref<10240x128xf32, #tpu.memory_space<vmem_shared>>)
        %add3A_50 = arith.constant 2 : i32
        %add3A_51 = arith.addi %mul3A_18, %add3A_50 : i32
        "tpu.region"() ({
          %run_scoped3A_55 = tpu.sem_alloc : memref<!tpu.dma_semaphore, #tpu.memory_space<semaphore_mem>>
          %dma_start3A_56 = arith.constant 0 : i32
          %dma_start3A_57 = tpu.memref_slice %arg3[%arg0, %arg1, %add3A_51, %dma_start3A_56] : memref<2x16x80x128xi32, #tpu.memory_space<hbm>> -> memref<1x1x1x128xi32, #tpu.memory_space<hbm>>
          %dma_start3A_58 = tpu.memref_squeeze %dma_start3A_57 : memref<1x1x1x128xi32, #tpu.memory_space<hbm>> -> memref<128xi32, #tpu.memory_space<hbm>>
          %dma_start3A_59 = arith.constant 0 : i32
          %dma_start3A_60 = tpu.memref_slice %arg3[%arg0, %arg1, %add3A_51, %dma_start3A_59] : memref<2x16x80x128xi32, #tpu.memory_space<hbm>> -> memref<1x1x1x128xi32, #tpu.memory_space<hbm>>
          %dma_start3A_61 = tpu.memref_squeeze %dma_start3A_60 : memref<1x1x1x128xi32, #tpu.memory_space<hbm>> -> memref<128xi32, #tpu.memory_space<hbm>>
          tpu.enqueue_dma source(%dma_start3A_61 : memref<128xi32, #tpu.memory_space<hbm>>) target(%arg7 : memref<128xi32, #tpu.memory_space<vmem>>) target_semaphore(%run_scoped3A_55 : memref<!tpu.dma_semaphore, #tpu.memory_space<semaphore_mem>>)
          %dma_wait3A_62 = arith.constant 0 : i32
          %dma_wait3A_63 = tpu.memref_slice %arg3[%arg0, %arg1, %add3A_51, %dma_wait3A_62] : memref<2x16x80x128xi32, #tpu.memory_space<hbm>> -> memref<1x1x1x128xi32, #tpu.memory_space<hbm>>
          %dma_wait3A_64 = tpu.memref_squeeze %dma_wait3A_63 : memref<1x1x1x128xi32, #tpu.memory_space<hbm>> -> memref<128xi32, #tpu.memory_space<hbm>>
          %dma_wait3A_65 = arith.constant 0 : i32
          %dma_wait3A_66 = tpu.memref_slice %arg3[%arg0, %arg1, %add3A_51, %dma_wait3A_65] : memref<2x16x80x128xi32, #tpu.memory_space<hbm>> -> memref<1x1x1x128xi32, #tpu.memory_space<hbm>>
          %dma_wait3A_67 = tpu.memref_squeeze %dma_wait3A_66 : memref<1x1x1x128xi32, #tpu.memory_space<hbm>> -> memref<128xi32, #tpu.memory_space<hbm>>
          tpu.wait_dma2 semaphore(%run_scoped3A_55 : memref<!tpu.dma_semaphore, #tpu.memory_space<semaphore_mem>>) src(%dma_wait3A_67 : memref<128xi32, #tpu.memory_space<hbm>>) dst(%arg7 : memref<128xi32, #tpu.memory_space<vmem>>)
          tpu.yield
        }) : () -> ()
        "tpu.region"() ({
          %run_scoped3A_55 = tpu.sem_alloc : memref<!tpu.dma_semaphore, #tpu.memory_space<semaphore_mem>>
          %dma_start3A_56 = arith.constant 0 : i32
          %dma_start3A_57 = tpu.memref_slice %arg4[%arg0, %arg1, %add3A_51, %dma_start3A_56] : memref<2x16x80x128xi32, #tpu.memory_space<hbm>> -> memref<1x1x1x128xi32, #tpu.memory_space<hbm>>
          %dma_start3A_58 = tpu.memref_squeeze %dma_start3A_57 : memref<1x1x1x128xi32, #tpu.memory_space<hbm>> -> memref<128xi32, #tpu.memory_space<hbm>>
          %dma_start3A_59 = arith.constant 0 : i32
          %dma_start3A_60 = tpu.memref_slice %arg4[%arg0, %arg1, %add3A_51, %dma_start3A_59] : memref<2x16x80x128xi32, #tpu.memory_space<hbm>> -> memref<1x1x1x128xi32, #tpu.memory_space<hbm>>
          %dma_start3A_61 = tpu.memref_squeeze %dma_start3A_60 : memref<1x1x1x128xi32, #tpu.memory_space<hbm>> -> memref<128xi32, #tpu.memory_space<hbm>>
          tpu.enqueue_dma source(%dma_start3A_61 : memref<128xi32, #tpu.memory_space<hbm>>) target(%arg8 : memref<128xi32, #tpu.memory_space<vmem>>) target_semaphore(%run_scoped3A_55 : memref<!tpu.dma_semaphore, #tpu.memory_space<semaphore_mem>>)
          %dma_wait3A_62 = arith.constant 0 : i32
          %dma_wait3A_63 = tpu.memref_slice %arg4[%arg0, %arg1, %add3A_51, %dma_wait3A_62] : memref<2x16x80x128xi32, #tpu.memory_space<hbm>> -> memref<1x1x1x128xi32, #tpu.memory_space<hbm>>
          %dma_wait3A_64 = tpu.memref_squeeze %dma_wait3A_63 : memref<1x1x1x128xi32, #tpu.memory_space<hbm>> -> memref<128xi32, #tpu.memory_space<hbm>>
          %dma_wait3A_65 = arith.constant 0 : i32
          %dma_wait3A_66 = tpu.memref_slice %arg4[%arg0, %arg1, %add3A_51, %dma_wait3A_65] : memref<2x16x80x128xi32, #tpu.memory_space<hbm>> -> memref<1x1x1x128xi32, #tpu.memory_space<hbm>>
          %dma_wait3A_67 = tpu.memref_squeeze %dma_wait3A_66 : memref<1x1x1x128xi32, #tpu.memory_space<hbm>> -> memref<128xi32, #tpu.memory_space<hbm>>
          tpu.wait_dma2 semaphore(%run_scoped3A_55 : memref<!tpu.dma_semaphore, #tpu.memory_space<semaphore_mem>>) src(%dma_wait3A_67 : memref<128xi32, #tpu.memory_space<hbm>>) dst(%arg8 : memref<128xi32, #tpu.memory_space<vmem>>)
          tpu.yield
        }) : () -> ()
        %dma_start3A_52 = arith.constant 0 : i32
        %dma_start3A_53 = arith.constant 0 : i32
        %dma_start3A_54 = tpu.memref_slice %arg2[%dma_start3A_52, %dma_start3A_53] : memref<10240x128xf32, #tpu.memory_space<hbm>> -> memref<10240x128xf32, #tpu.memory_space<hbm>>
        tpu.enqueue_indirect_dma source(%dma_start3A_54 : memref<10240x128xf32, #tpu.memory_space<hbm>>) target(%arg11 : memref<128x128xf32, #tpu.memory_space<vmem>>) offsets(%arg7 : memref<128xi32, #tpu.memory_space<vmem>>) semaphore(%arg14 : memref<!tpu.dma_semaphore, #tpu.memory_space<semaphore_mem>>)
      } else {
      }
      %add3A_32 = arith.constant 2 : i32
      %add3A_33 = arith.addi %mul3A_18, %add3A_32 : i32
      %ge3A = arith.constant 80 : i32
      %ge3A_34 = arith.cmpi sge, %add3A_33, %ge3A : i32
      %convert_element_type3A_35 = arith.extui %ge3A_34 : i1 to i32
      %cond3A_36 = arith.constant 0 : i32
      %cond3A_37 = arith.cmpi ne, %convert_element_type3A_35, %cond3A_36 : i32
      scf.if %cond3A_37 {
        %dma_wait3A_47 = arith.constant 0 : i32
        %dma_wait3A_48 = arith.constant 0 : i32
        %dma_wait3A_49 = tpu.memref_slice %arg13[%dma_wait3A_47, %dma_wait3A_48] : memref<10240x128xf32, #tpu.memory_space<vmem_shared>> -> memref<10240x128xf32, #tpu.memory_space<vmem_shared>>
        tpu.wait_indirect_dma semaphore(%arg16 : memref<!tpu.dma_semaphore, #tpu.memory_space<semaphore_mem>>) src(%arg11 : memref<128x128xf32, #tpu.memory_space<vmem>>) dst(%dma_wait3A_49 : memref<10240x128xf32, #tpu.memory_space<vmem_shared>>)
      } else {
      }
      %dma_wait3A_38 = arith.constant 0 : i32
      %dma_wait3A_39 = arith.constant 0 : i32
      %dma_wait3A_40 = tpu.memref_slice %arg2[%dma_wait3A_38, %dma_wait3A_39] : memref<10240x128xf32, #tpu.memory_space<hbm>> -> memref<10240x128xf32, #tpu.memory_space<hbm>>
      tpu.wait_indirect_dma semaphore(%arg15 : memref<!tpu.dma_semaphore, #tpu.memory_space<semaphore_mem>>) src(%dma_wait3A_40 : memref<10240x128xf32, #tpu.memory_space<hbm>>) dst(%arg12 : memref<128x128xf32, #tpu.memory_space<vmem>>)
      %dma_start3A_41 = arith.constant 0 : i32
      %dma_start3A_42 = arith.constant 0 : i32
      %dma_start3A_43 = tpu.memref_slice %arg13[%dma_start3A_41, %dma_start3A_42] : memref<10240x128xf32, #tpu.memory_space<vmem_shared>> -> memref<10240x128xf32, #tpu.memory_space<vmem_shared>>
      tpu.enqueue_indirect_dma source(%arg12 : memref<128x128xf32, #tpu.memory_space<vmem>>) target(%dma_start3A_43 : memref<10240x128xf32, #tpu.memory_space<vmem_shared>>) offsets(%arg10 : memref<128xi32, #tpu.memory_space<vmem>>) semaphore(%arg17 : memref<!tpu.dma_semaphore, #tpu.memory_space<semaphore_mem>>) {add = true}
      %dma_wait3A_44 = arith.constant 0 : i32
      %dma_wait3A_45 = arith.constant 0 : i32
      %dma_wait3A_46 = tpu.memref_slice %arg13[%dma_wait3A_44, %dma_wait3A_45] : memref<10240x128xf32, #tpu.memory_space<vmem_shared>> -> memref<10240x128xf32, #tpu.memory_space<vmem_shared>>
      tpu.wait_indirect_dma semaphore(%arg17 : memref<!tpu.dma_semaphore, #tpu.memory_space<semaphore_mem>>) src(%arg12 : memref<128x128xf32, #tpu.memory_space<vmem>>) dst(%dma_wait3A_46 : memref<10240x128xf32, #tpu.memory_space<vmem_shared>>)
    }
    %scan3A_14 = arith.constant 40 : i32
    %barrier3A_15 = arith.constant 0 : index
    tpu.barrier barrier_id(%barrier3A_15)
    "tpu.region"() ({
      %run_scoped3A_16 = tpu.sem_alloc : memref<!tpu.dma_semaphore, #tpu.memory_space<semaphore_mem>>
      %dma_start3A_17 = arith.constant 0 : i32
      %dma_start3A_18 = tpu.memref_slice %arg6[%arg0, %mul3A_0, %dma_start3A_17] : memref<2x10240x128xf32, #tpu.memory_space<hbm>> -> memref<1x640x128xf32, #tpu.memory_space<hbm>>
      %dma_start3A_19 = tpu.memref_squeeze %dma_start3A_18 : memref<1x640x128xf32, #tpu.memory_space<hbm>> -> memref<640x128xf32, #tpu.memory_space<hbm>>
      %dma_start3A_20 = arith.constant 0 : i32
      %dma_start3A_21 = tpu.memref_slice %arg13[%mul3A_0, %dma_start3A_20] : memref<10240x128xf32, #tpu.memory_space<vmem_shared>> -> memref<640x128xf32, #tpu.memory_space<vmem_shared>>
      tpu.enqueue_dma source(%dma_start3A_21 : memref<640x128xf32, #tpu.memory_space<vmem_shared>>) target(%dma_start3A_19 : memref<640x128xf32, #tpu.memory_space<hbm>>) target_semaphore(%run_scoped3A_16 : memref<!tpu.dma_semaphore, #tpu.memory_space<semaphore_mem>>)
      %dma_wait3A = arith.constant 0 : i32
      %dma_wait3A_22 = tpu.memref_slice %arg6[%arg0, %mul3A_0, %dma_wait3A] : memref<2x10240x128xf32, #tpu.memory_space<hbm>> -> memref<1x640x128xf32, #tpu.memory_space<hbm>>
      %dma_wait3A_23 = tpu.memref_squeeze %dma_wait3A_22 : memref<1x640x128xf32, #tpu.memory_space<hbm>> -> memref<640x128xf32, #tpu.memory_space<hbm>>
      %dma_wait3A_24 = arith.constant 0 : i32
      %dma_wait3A_25 = tpu.memref_slice %arg13[%mul3A_0, %dma_wait3A_24] : memref<10240x128xf32, #tpu.memory_space<vmem_shared>> -> memref<640x128xf32, #tpu.memory_space<vmem_shared>>
      tpu.wait_dma2 semaphore(%run_scoped3A_16 : memref<!tpu.dma_semaphore, #tpu.memory_space<semaphore_mem>>) src(%dma_wait3A_25 : memref<640x128xf32, #tpu.memory_space<vmem_shared>>) dst(%dma_wait3A_23 : memref<640x128xf32, #tpu.memory_space<hbm>>)
      tpu.yield
    }) : () -> ()
    return
  }
}

#map = affine_map<(d0, d1) -> (0, 0)>
#map1 = affine_map<(d0, d1) -> (0, 0, 0, 0)>
#map2 = affine_map<(d0, d1) -> (0, 0, 0)>
module attributes {stable_mosaic.version = 14 : i64} {
  func.func @agg_kernel(%arg0: i32, %arg1: i32, %arg2: memref<10240x128xf32, #tpu.memory_space<hbm>>, %arg3: memref<2x16x80x128xi32, #tpu.memory_space<hbm>>, %arg4: memref<2x16x80x128xi32, #tpu.memory_space<hbm>>, %arg5: memref<128x128xf32, #tpu.memory_space<hbm>>, %arg6: memref<2x10240x128xf32, #tpu.memory_space<hbm>>, %arg7: memref<128xi32, #tpu.memory_space<vmem>>, %arg8: memref<128xi32, #tpu.memory_space<vmem>>, %arg9: memref<128xi32, #tpu.memory_space<vmem>>, %arg10: memref<128xi32, #tpu.memory_space<vmem>>, %arg11: memref<128x128xf32, #tpu.memory_space<vmem>>, %arg12: memref<128x128xf32, #tpu.memory_space<vmem>>, %arg13: memref<10240x128xf32, #tpu.memory_space<vmem_shared>>, %arg14: memref<!tpu.dma_semaphore, #tpu.memory_space<semaphore_mem>>, %arg15: memref<!tpu.dma_semaphore, #tpu.memory_space<semaphore_mem>>, %arg16: memref<!tpu.dma_semaphore, #tpu.memory_space<semaphore_mem>>, %arg17: memref<!tpu.dma_semaphore, #tpu.memory_space<semaphore_mem>>) attributes {dimension_semantics = [#tpu.dimension_semantics<core_parallel>, #tpu.dimension_semantics<subcore_parallel>], iteration_bounds = array<i64: 2, 16>, scalar_prefetch = 0 : i64, scratch_operands = 11 : i64, tpu.core_type = #tpu.core_type<sc_vector_subcore>, window_params = [{transform_indices = #map}, {transform_indices = #map1}, {transform_indices = #map1}, {transform_indices = #map}, {transform_indices = #map2}]} {
    %mul3A = arith.constant 640 : i32
    %mul3A_0 = arith.muli %arg1, %mul3A : i32
    "tpu.region"() ({
      %run_scoped3A_16 = tpu.sem_alloc : memref<!tpu.dma_semaphore, #tpu.memory_space<semaphore_mem>>
      tpu.enqueue_dma source(%arg5 : memref<128x128xf32, #tpu.memory_space<hbm>>) target(%arg11 : memref<128x128xf32, #tpu.memory_space<vmem>>) target_semaphore(%run_scoped3A_16 : memref<!tpu.dma_semaphore, #tpu.memory_space<semaphore_mem>>)
      tpu.wait_dma2 semaphore(%run_scoped3A_16 : memref<!tpu.dma_semaphore, #tpu.memory_space<semaphore_mem>>) src(%arg5 : memref<128x128xf32, #tpu.memory_space<hbm>>) dst(%arg11 : memref<128x128xf32, #tpu.memory_space<vmem>>)
      tpu.yield
    }) : () -> ()
    %scan3A = arith.constant 0 : i32
    %scan3A_1 = arith.constant 0 : i32
    %scan3A_2 = arith.constant 5 : i32
    %scan3A_3 = arith.addi %scan3A_1, %scan3A_2 : i32
    %scan3A_4 = arith.constant 1 : i32
    scf.for %scan3A_16 = %scan3A_1 to %scan3A_3 step %scan3A_4  : i32 {
      %mul3A_17 = arith.constant 640 : i32
      %mul3A_18 = arith.muli %arg1, %mul3A_17 : i32
      %mul3A_19 = arith.constant 128 : i32
      %mul3A_20 = arith.muli %scan3A_16, %mul3A_19 : i32
      %add3A = arith.addi %mul3A_18, %mul3A_20 : i32
      "tpu.region"() ({
        %run_scoped3A_21 = tpu.sem_alloc : memref<!tpu.dma_semaphore, #tpu.memory_space<semaphore_mem>>
        %dma_start3A_22 = arith.constant 0 : i32
        %dma_start3A_23 = tpu.memref_slice %arg13[%add3A, %dma_start3A_22] : memref<10240x128xf32, #tpu.memory_space<vmem_shared>> -> memref<128x128xf32, #tpu.memory_space<vmem_shared>>
        %dma_start3A_24 = arith.constant 0 : i32
        %dma_start3A_25 = tpu.memref_slice %arg13[%add3A, %dma_start3A_24] : memref<10240x128xf32, #tpu.memory_space<vmem_shared>> -> memref<128x128xf32, #tpu.memory_space<vmem_shared>>
        tpu.enqueue_dma source(%arg11 : memref<128x128xf32, #tpu.memory_space<vmem>>) target(%dma_start3A_25 : memref<128x128xf32, #tpu.memory_space<vmem_shared>>) target_semaphore(%run_scoped3A_21 : memref<!tpu.dma_semaphore, #tpu.memory_space<semaphore_mem>>)
        %dma_wait3A = arith.constant 0 : i32
        %dma_wait3A_26 = tpu.memref_slice %arg13[%add3A, %dma_wait3A] : memref<10240x128xf32, #tpu.memory_space<vmem_shared>> -> memref<128x128xf32, #tpu.memory_space<vmem_shared>>
        %dma_wait3A_27 = arith.constant 0 : i32
        %dma_wait3A_28 = tpu.memref_slice %arg13[%add3A, %dma_wait3A_27] : memref<10240x128xf32, #tpu.memory_space<vmem_shared>> -> memref<128x128xf32, #tpu.memory_space<vmem_shared>>
        tpu.wait_dma2 semaphore(%run_scoped3A_21 : memref<!tpu.dma_semaphore, #tpu.memory_space<semaphore_mem>>) src(%arg11 : memref<128x128xf32, #tpu.memory_space<vmem>>) dst(%dma_wait3A_28 : memref<128x128xf32, #tpu.memory_space<vmem_shared>>)
        tpu.yield
      }) : () -> ()
    }
    %scan3A_5 = arith.constant 5 : i32
    %barrier3A = arith.constant 0 : index
    tpu.barrier barrier_id(%barrier3A)
    %run_scoped3A = arith.constant 0 : i32
    "tpu.region"() ({
      %run_scoped3A_16 = tpu.sem_alloc : memref<!tpu.dma_semaphore, #tpu.memory_space<semaphore_mem>>
      %dma_start3A_17 = arith.constant 0 : i32
      %dma_start3A_18 = tpu.memref_slice %arg3[%arg0, %arg1, %run_scoped3A, %dma_start3A_17] : memref<2x16x80x128xi32, #tpu.memory_space<hbm>> -> memref<1x1x1x128xi32, #tpu.memory_space<hbm>>
      %dma_start3A_19 = tpu.memref_squeeze %dma_start3A_18 : memref<1x1x1x128xi32, #tpu.memory_space<hbm>> -> memref<128xi32, #tpu.memory_space<hbm>>
      %dma_start3A_20 = arith.constant 0 : i32
      %dma_start3A_21 = tpu.memref_slice %arg3[%arg0, %arg1, %run_scoped3A, %dma_start3A_20] : memref<2x16x80x128xi32, #tpu.memory_space<hbm>> -> memref<1x1x1x128xi32, #tpu.memory_space<hbm>>
      %dma_start3A_22 = tpu.memref_squeeze %dma_start3A_21 : memref<1x1x1x128xi32, #tpu.memory_space<hbm>> -> memref<128xi32, #tpu.memory_space<hbm>>
      tpu.enqueue_dma source(%dma_start3A_22 : memref<128xi32, #tpu.memory_space<hbm>>) target(%arg7 : memref<128xi32, #tpu.memory_space<vmem>>) target_semaphore(%run_scoped3A_16 : memref<!tpu.dma_semaphore, #tpu.memory_space<semaphore_mem>>)
      %dma_wait3A = arith.constant 0 : i32
      %dma_wait3A_23 = tpu.memref_slice %arg3[%arg0, %arg1, %run_scoped3A, %dma_wait3A] : memref<2x16x80x128xi32, #tpu.memory_space<hbm>> -> memref<1x1x1x128xi32, #tpu.memory_space<hbm>>
      %dma_wait3A_24 = tpu.memref_squeeze %dma_wait3A_23 : memref<1x1x1x128xi32, #tpu.memory_space<hbm>> -> memref<128xi32, #tpu.memory_space<hbm>>
      %dma_wait3A_25 = arith.constant 0 : i32
      %dma_wait3A_26 = tpu.memref_slice %arg3[%arg0, %arg1, %run_scoped3A, %dma_wait3A_25] : memref<2x16x80x128xi32, #tpu.memory_space<hbm>> -> memref<1x1x1x128xi32, #tpu.memory_space<hbm>>
      %dma_wait3A_27 = tpu.memref_squeeze %dma_wait3A_26 : memref<1x1x1x128xi32, #tpu.memory_space<hbm>> -> memref<128xi32, #tpu.memory_space<hbm>>
      tpu.wait_dma2 semaphore(%run_scoped3A_16 : memref<!tpu.dma_semaphore, #tpu.memory_space<semaphore_mem>>) src(%dma_wait3A_27 : memref<128xi32, #tpu.memory_space<hbm>>) dst(%arg7 : memref<128xi32, #tpu.memory_space<vmem>>)
      tpu.yield
    }) : () -> ()
    %run_scoped3A_6 = arith.constant 0 : i32
    "tpu.region"() ({
      %run_scoped3A_16 = tpu.sem_alloc : memref<!tpu.dma_semaphore, #tpu.memory_space<semaphore_mem>>
      %dma_start3A_17 = arith.constant 0 : i32
      %dma_start3A_18 = tpu.memref_slice %arg4[%arg0, %arg1, %run_scoped3A_6, %dma_start3A_17] : memref<2x16x80x128xi32, #tpu.memory_space<hbm>> -> memref<1x1x1x128xi32, #tpu.memory_space<hbm>>
      %dma_start3A_19 = tpu.memref_squeeze %dma_start3A_18 : memref<1x1x1x128xi32, #tpu.memory_space<hbm>> -> memref<128xi32, #tpu.memory_space<hbm>>
      %dma_start3A_20 = arith.constant 0 : i32
      %dma_start3A_21 = tpu.memref_slice %arg4[%arg0, %arg1, %run_scoped3A_6, %dma_start3A_20] : memref<2x16x80x128xi32, #tpu.memory_space<hbm>> -> memref<1x1x1x128xi32, #tpu.memory_space<hbm>>
      %dma_start3A_22 = tpu.memref_squeeze %dma_start3A_21 : memref<1x1x1x128xi32, #tpu.memory_space<hbm>> -> memref<128xi32, #tpu.memory_space<hbm>>
      tpu.enqueue_dma source(%dma_start3A_22 : memref<128xi32, #tpu.memory_space<hbm>>) target(%arg8 : memref<128xi32, #tpu.memory_space<vmem>>) target_semaphore(%run_scoped3A_16 : memref<!tpu.dma_semaphore, #tpu.memory_space<semaphore_mem>>)
      %dma_wait3A = arith.constant 0 : i32
      %dma_wait3A_23 = tpu.memref_slice %arg4[%arg0, %arg1, %run_scoped3A_6, %dma_wait3A] : memref<2x16x80x128xi32, #tpu.memory_space<hbm>> -> memref<1x1x1x128xi32, #tpu.memory_space<hbm>>
      %dma_wait3A_24 = tpu.memref_squeeze %dma_wait3A_23 : memref<1x1x1x128xi32, #tpu.memory_space<hbm>> -> memref<128xi32, #tpu.memory_space<hbm>>
      %dma_wait3A_25 = arith.constant 0 : i32
      %dma_wait3A_26 = tpu.memref_slice %arg4[%arg0, %arg1, %run_scoped3A_6, %dma_wait3A_25] : memref<2x16x80x128xi32, #tpu.memory_space<hbm>> -> memref<1x1x1x128xi32, #tpu.memory_space<hbm>>
      %dma_wait3A_27 = tpu.memref_squeeze %dma_wait3A_26 : memref<1x1x1x128xi32, #tpu.memory_space<hbm>> -> memref<128xi32, #tpu.memory_space<hbm>>
      tpu.wait_dma2 semaphore(%run_scoped3A_16 : memref<!tpu.dma_semaphore, #tpu.memory_space<semaphore_mem>>) src(%dma_wait3A_27 : memref<128xi32, #tpu.memory_space<hbm>>) dst(%arg8 : memref<128xi32, #tpu.memory_space<vmem>>)
      tpu.yield
    }) : () -> ()
    %dma_start3A = arith.constant 0 : i32
    %dma_start3A_7 = arith.constant 0 : i32
    %dma_start3A_8 = tpu.memref_slice %arg2[%dma_start3A, %dma_start3A_7] : memref<10240x128xf32, #tpu.memory_space<hbm>> -> memref<10240x128xf32, #tpu.memory_space<hbm>>
    tpu.enqueue_indirect_dma source(%dma_start3A_8 : memref<10240x128xf32, #tpu.memory_space<hbm>>) target(%arg11 : memref<128x128xf32, #tpu.memory_space<vmem>>) offsets(%arg7 : memref<128xi32, #tpu.memory_space<vmem>>) semaphore(%arg14 : memref<!tpu.dma_semaphore, #tpu.memory_space<semaphore_mem>>)
    %scan3A_9 = arith.constant 0 : i32
    %scan3A_10 = arith.constant 0 : i32
    %scan3A_11 = arith.constant 40 : i32
    %scan3A_12 = arith.addi %scan3A_10, %scan3A_11 : i32
    %scan3A_13 = arith.constant 1 : i32
    scf.for %scan3A_16 = %scan3A_10 to %scan3A_12 step %scan3A_13  : i32 {
      %mul3A_17 = arith.constant 2 : i32
      %mul3A_18 = arith.muli %mul3A_17, %scan3A_16 : i32
      %add3A = arith.constant 1 : i32
      %add3A_19 = arith.addi %mul3A_18, %add3A : i32
      "tpu.region"() ({
        %run_scoped3A_47 = tpu.sem_alloc : memref<!tpu.dma_semaphore, #tpu.memory_space<semaphore_mem>>
        %dma_start3A_48 = arith.constant 0 : i32
        %dma_start3A_49 = tpu.memref_slice %arg3[%arg0, %arg1, %add3A_19, %dma_start3A_48] : memref<2x16x80x128xi32, #tpu.memory_space<hbm>> -> memref<1x1x1x128xi32, #tpu.memory_space<hbm>>
        %dma_start3A_50 = tpu.memref_squeeze %dma_start3A_49 : memref<1x1x1x128xi32, #tpu.memory_space<hbm>> -> memref<128xi32, #tpu.memory_space<hbm>>
        %dma_start3A_51 = arith.constant 0 : i32
        %dma_start3A_52 = tpu.memref_slice %arg3[%arg0, %arg1, %add3A_19, %dma_start3A_51] : memref<2x16x80x128xi32, #tpu.memory_space<hbm>> -> memref<1x1x1x128xi32, #tpu.memory_space<hbm>>
        %dma_start3A_53 = tpu.memref_squeeze %dma_start3A_52 : memref<1x1x1x128xi32, #tpu.memory_space<hbm>> -> memref<128xi32, #tpu.memory_space<hbm>>
        tpu.enqueue_dma source(%dma_start3A_53 : memref<128xi32, #tpu.memory_space<hbm>>) target(%arg9 : memref<128xi32, #tpu.memory_space<vmem>>) target_semaphore(%run_scoped3A_47 : memref<!tpu.dma_semaphore, #tpu.memory_space<semaphore_mem>>)
        %dma_wait3A_54 = arith.constant 0 : i32
        %dma_wait3A_55 = tpu.memref_slice %arg3[%arg0, %arg1, %add3A_19, %dma_wait3A_54] : memref<2x16x80x128xi32, #tpu.memory_space<hbm>> -> memref<1x1x1x128xi32, #tpu.memory_space<hbm>>
        %dma_wait3A_56 = tpu.memref_squeeze %dma_wait3A_55 : memref<1x1x1x128xi32, #tpu.memory_space<hbm>> -> memref<128xi32, #tpu.memory_space<hbm>>
        %dma_wait3A_57 = arith.constant 0 : i32
        %dma_wait3A_58 = tpu.memref_slice %arg3[%arg0, %arg1, %add3A_19, %dma_wait3A_57] : memref<2x16x80x128xi32, #tpu.memory_space<hbm>> -> memref<1x1x1x128xi32, #tpu.memory_space<hbm>>
        %dma_wait3A_59 = tpu.memref_squeeze %dma_wait3A_58 : memref<1x1x1x128xi32, #tpu.memory_space<hbm>> -> memref<128xi32, #tpu.memory_space<hbm>>
        tpu.wait_dma2 semaphore(%run_scoped3A_47 : memref<!tpu.dma_semaphore, #tpu.memory_space<semaphore_mem>>) src(%dma_wait3A_59 : memref<128xi32, #tpu.memory_space<hbm>>) dst(%arg9 : memref<128xi32, #tpu.memory_space<vmem>>)
        tpu.yield
      }) : () -> ()
      "tpu.region"() ({
        %run_scoped3A_47 = tpu.sem_alloc : memref<!tpu.dma_semaphore, #tpu.memory_space<semaphore_mem>>
        %dma_start3A_48 = arith.constant 0 : i32
        %dma_start3A_49 = tpu.memref_slice %arg4[%arg0, %arg1, %add3A_19, %dma_start3A_48] : memref<2x16x80x128xi32, #tpu.memory_space<hbm>> -> memref<1x1x1x128xi32, #tpu.memory_space<hbm>>
        %dma_start3A_50 = tpu.memref_squeeze %dma_start3A_49 : memref<1x1x1x128xi32, #tpu.memory_space<hbm>> -> memref<128xi32, #tpu.memory_space<hbm>>
        %dma_start3A_51 = arith.constant 0 : i32
        %dma_start3A_52 = tpu.memref_slice %arg4[%arg0, %arg1, %add3A_19, %dma_start3A_51] : memref<2x16x80x128xi32, #tpu.memory_space<hbm>> -> memref<1x1x1x128xi32, #tpu.memory_space<hbm>>
        %dma_start3A_53 = tpu.memref_squeeze %dma_start3A_52 : memref<1x1x1x128xi32, #tpu.memory_space<hbm>> -> memref<128xi32, #tpu.memory_space<hbm>>
        tpu.enqueue_dma source(%dma_start3A_53 : memref<128xi32, #tpu.memory_space<hbm>>) target(%arg10 : memref<128xi32, #tpu.memory_space<vmem>>) target_semaphore(%run_scoped3A_47 : memref<!tpu.dma_semaphore, #tpu.memory_space<semaphore_mem>>)
        %dma_wait3A_54 = arith.constant 0 : i32
        %dma_wait3A_55 = tpu.memref_slice %arg4[%arg0, %arg1, %add3A_19, %dma_wait3A_54] : memref<2x16x80x128xi32, #tpu.memory_space<hbm>> -> memref<1x1x1x128xi32, #tpu.memory_space<hbm>>
        %dma_wait3A_56 = tpu.memref_squeeze %dma_wait3A_55 : memref<1x1x1x128xi32, #tpu.memory_space<hbm>> -> memref<128xi32, #tpu.memory_space<hbm>>
        %dma_wait3A_57 = arith.constant 0 : i32
        %dma_wait3A_58 = tpu.memref_slice %arg4[%arg0, %arg1, %add3A_19, %dma_wait3A_57] : memref<2x16x80x128xi32, #tpu.memory_space<hbm>> -> memref<1x1x1x128xi32, #tpu.memory_space<hbm>>
        %dma_wait3A_59 = tpu.memref_squeeze %dma_wait3A_58 : memref<1x1x1x128xi32, #tpu.memory_space<hbm>> -> memref<128xi32, #tpu.memory_space<hbm>>
        tpu.wait_dma2 semaphore(%run_scoped3A_47 : memref<!tpu.dma_semaphore, #tpu.memory_space<semaphore_mem>>) src(%dma_wait3A_59 : memref<128xi32, #tpu.memory_space<hbm>>) dst(%arg10 : memref<128xi32, #tpu.memory_space<vmem>>)
        tpu.yield
      }) : () -> ()
      %dma_start3A_20 = arith.constant 0 : i32
      %dma_start3A_21 = arith.constant 0 : i32
      %dma_start3A_22 = tpu.memref_slice %arg2[%dma_start3A_20, %dma_start3A_21] : memref<10240x128xf32, #tpu.memory_space<hbm>> -> memref<10240x128xf32, #tpu.memory_space<hbm>>
      tpu.enqueue_indirect_dma source(%dma_start3A_22 : memref<10240x128xf32, #tpu.memory_space<hbm>>) target(%arg12 : memref<128x128xf32, #tpu.memory_space<vmem>>) offsets(%arg9 : memref<128xi32, #tpu.memory_space<vmem>>) semaphore(%arg15 : memref<!tpu.dma_semaphore, #tpu.memory_space<semaphore_mem>>)
      %dma_wait3A = arith.constant 0 : i32
      %dma_wait3A_23 = arith.constant 0 : i32
      %dma_wait3A_24 = tpu.memref_slice %arg2[%dma_wait3A, %dma_wait3A_23] : memref<10240x128xf32, #tpu.memory_space<hbm>> -> memref<10240x128xf32, #tpu.memory_space<hbm>>
      tpu.wait_indirect_dma semaphore(%arg14 : memref<!tpu.dma_semaphore, #tpu.memory_space<semaphore_mem>>) src(%dma_wait3A_24 : memref<10240x128xf32, #tpu.memory_space<hbm>>) dst(%arg11 : memref<128x128xf32, #tpu.memory_space<vmem>>)
      %dma_start3A_25 = arith.constant 0 : i32
      %dma_start3A_26 = arith.constant 0 : i32
      %dma_start3A_27 = tpu.memref_slice %arg13[%dma_start3A_25, %dma_start3A_26] : memref<10240x128xf32, #tpu.memory_space<vmem_shared>> -> memref<10240x128xf32, #tpu.memory_space<vmem_shared>>
      tpu.enqueue_indirect_dma source(%arg11 : memref<128x128xf32, #tpu.memory_space<vmem>>) target(%dma_start3A_27 : memref<10240x128xf32, #tpu.memory_space<vmem_shared>>) offsets(%arg8 : memref<128xi32, #tpu.memory_space<vmem>>) semaphore(%arg16 : memref<!tpu.dma_semaphore, #tpu.memory_space<semaphore_mem>>) {add = true}
      %add3A_28 = arith.constant 2 : i32
      %add3A_29 = arith.addi %mul3A_18, %add3A_28 : i32
      %lt3A = arith.constant 80 : i32
      %lt3A_30 = arith.cmpi slt, %add3A_29, %lt3A : i32
      %convert_element_type3A = arith.extui %lt3A_30 : i1 to i32
      %cond3A = arith.constant 0 : i32
      %cond3A_31 = arith.cmpi ne, %convert_element_type3A, %cond3A : i32
      scf.if %cond3A_31 {
        %dma_wait3A_47 = arith.constant 0 : i32
        %dma_wait3A_48 = arith.constant 0 : i32
        %dma_wait3A_49 = tpu.memref_slice %arg13[%dma_wait3A_47, %dma_wait3A_48] : memref<10240x128xf32, #tpu.memory_space<vmem_shared>> -> memref<10240x128xf32, #tpu.memory_space<vmem_shared>>
        tpu.wait_indirect_dma semaphore(%arg16 : memref<!tpu.dma_semaphore, #tpu.memory_space<semaphore_mem>>) src(%arg11 : memref<128x128xf32, #tpu.memory_space<vmem>>) dst(%dma_wait3A_49 : memref<10240x128xf32, #tpu.memory_space<vmem_shared>>)
        %add3A_50 = arith.constant 2 : i32
        %add3A_51 = arith.addi %mul3A_18, %add3A_50 : i32
        "tpu.region"() ({
          %run_scoped3A_55 = tpu.sem_alloc : memref<!tpu.dma_semaphore, #tpu.memory_space<semaphore_mem>>
          %dma_start3A_56 = arith.constant 0 : i32
          %dma_start3A_57 = tpu.memref_slice %arg3[%arg0, %arg1, %add3A_51, %dma_start3A_56] : memref<2x16x80x128xi32, #tpu.memory_space<hbm>> -> memref<1x1x1x128xi32, #tpu.memory_space<hbm>>
          %dma_start3A_58 = tpu.memref_squeeze %dma_start3A_57 : memref<1x1x1x128xi32, #tpu.memory_space<hbm>> -> memref<128xi32, #tpu.memory_space<hbm>>
          %dma_start3A_59 = arith.constant 0 : i32
          %dma_start3A_60 = tpu.memref_slice %arg3[%arg0, %arg1, %add3A_51, %dma_start3A_59] : memref<2x16x80x128xi32, #tpu.memory_space<hbm>> -> memref<1x1x1x128xi32, #tpu.memory_space<hbm>>
          %dma_start3A_61 = tpu.memref_squeeze %dma_start3A_60 : memref<1x1x1x128xi32, #tpu.memory_space<hbm>> -> memref<128xi32, #tpu.memory_space<hbm>>
          tpu.enqueue_dma source(%dma_start3A_61 : memref<128xi32, #tpu.memory_space<hbm>>) target(%arg7 : memref<128xi32, #tpu.memory_space<vmem>>) target_semaphore(%run_scoped3A_55 : memref<!tpu.dma_semaphore, #tpu.memory_space<semaphore_mem>>)
          %dma_wait3A_62 = arith.constant 0 : i32
          %dma_wait3A_63 = tpu.memref_slice %arg3[%arg0, %arg1, %add3A_51, %dma_wait3A_62] : memref<2x16x80x128xi32, #tpu.memory_space<hbm>> -> memref<1x1x1x128xi32, #tpu.memory_space<hbm>>
          %dma_wait3A_64 = tpu.memref_squeeze %dma_wait3A_63 : memref<1x1x1x128xi32, #tpu.memory_space<hbm>> -> memref<128xi32, #tpu.memory_space<hbm>>
          %dma_wait3A_65 = arith.constant 0 : i32
          %dma_wait3A_66 = tpu.memref_slice %arg3[%arg0, %arg1, %add3A_51, %dma_wait3A_65] : memref<2x16x80x128xi32, #tpu.memory_space<hbm>> -> memref<1x1x1x128xi32, #tpu.memory_space<hbm>>
          %dma_wait3A_67 = tpu.memref_squeeze %dma_wait3A_66 : memref<1x1x1x128xi32, #tpu.memory_space<hbm>> -> memref<128xi32, #tpu.memory_space<hbm>>
          tpu.wait_dma2 semaphore(%run_scoped3A_55 : memref<!tpu.dma_semaphore, #tpu.memory_space<semaphore_mem>>) src(%dma_wait3A_67 : memref<128xi32, #tpu.memory_space<hbm>>) dst(%arg7 : memref<128xi32, #tpu.memory_space<vmem>>)
          tpu.yield
        }) : () -> ()
        "tpu.region"() ({
          %run_scoped3A_55 = tpu.sem_alloc : memref<!tpu.dma_semaphore, #tpu.memory_space<semaphore_mem>>
          %dma_start3A_56 = arith.constant 0 : i32
          %dma_start3A_57 = tpu.memref_slice %arg4[%arg0, %arg1, %add3A_51, %dma_start3A_56] : memref<2x16x80x128xi32, #tpu.memory_space<hbm>> -> memref<1x1x1x128xi32, #tpu.memory_space<hbm>>
          %dma_start3A_58 = tpu.memref_squeeze %dma_start3A_57 : memref<1x1x1x128xi32, #tpu.memory_space<hbm>> -> memref<128xi32, #tpu.memory_space<hbm>>
          %dma_start3A_59 = arith.constant 0 : i32
          %dma_start3A_60 = tpu.memref_slice %arg4[%arg0, %arg1, %add3A_51, %dma_start3A_59] : memref<2x16x80x128xi32, #tpu.memory_space<hbm>> -> memref<1x1x1x128xi32, #tpu.memory_space<hbm>>
          %dma_start3A_61 = tpu.memref_squeeze %dma_start3A_60 : memref<1x1x1x128xi32, #tpu.memory_space<hbm>> -> memref<128xi32, #tpu.memory_space<hbm>>
          tpu.enqueue_dma source(%dma_start3A_61 : memref<128xi32, #tpu.memory_space<hbm>>) target(%arg8 : memref<128xi32, #tpu.memory_space<vmem>>) target_semaphore(%run_scoped3A_55 : memref<!tpu.dma_semaphore, #tpu.memory_space<semaphore_mem>>)
          %dma_wait3A_62 = arith.constant 0 : i32
          %dma_wait3A_63 = tpu.memref_slice %arg4[%arg0, %arg1, %add3A_51, %dma_wait3A_62] : memref<2x16x80x128xi32, #tpu.memory_space<hbm>> -> memref<1x1x1x128xi32, #tpu.memory_space<hbm>>
          %dma_wait3A_64 = tpu.memref_squeeze %dma_wait3A_63 : memref<1x1x1x128xi32, #tpu.memory_space<hbm>> -> memref<128xi32, #tpu.memory_space<hbm>>
          %dma_wait3A_65 = arith.constant 0 : i32
          %dma_wait3A_66 = tpu.memref_slice %arg4[%arg0, %arg1, %add3A_51, %dma_wait3A_65] : memref<2x16x80x128xi32, #tpu.memory_space<hbm>> -> memref<1x1x1x128xi32, #tpu.memory_space<hbm>>
          %dma_wait3A_67 = tpu.memref_squeeze %dma_wait3A_66 : memref<1x1x1x128xi32, #tpu.memory_space<hbm>> -> memref<128xi32, #tpu.memory_space<hbm>>
          tpu.wait_dma2 semaphore(%run_scoped3A_55 : memref<!tpu.dma_semaphore, #tpu.memory_space<semaphore_mem>>) src(%dma_wait3A_67 : memref<128xi32, #tpu.memory_space<hbm>>) dst(%arg8 : memref<128xi32, #tpu.memory_space<vmem>>)
          tpu.yield
        }) : () -> ()
        %dma_start3A_52 = arith.constant 0 : i32
        %dma_start3A_53 = arith.constant 0 : i32
        %dma_start3A_54 = tpu.memref_slice %arg2[%dma_start3A_52, %dma_start3A_53] : memref<10240x128xf32, #tpu.memory_space<hbm>> -> memref<10240x128xf32, #tpu.memory_space<hbm>>
        tpu.enqueue_indirect_dma source(%dma_start3A_54 : memref<10240x128xf32, #tpu.memory_space<hbm>>) target(%arg11 : memref<128x128xf32, #tpu.memory_space<vmem>>) offsets(%arg7 : memref<128xi32, #tpu.memory_space<vmem>>) semaphore(%arg14 : memref<!tpu.dma_semaphore, #tpu.memory_space<semaphore_mem>>)
      } else {
      }
      %add3A_32 = arith.constant 2 : i32
      %add3A_33 = arith.addi %mul3A_18, %add3A_32 : i32
      %ge3A = arith.constant 80 : i32
      %ge3A_34 = arith.cmpi sge, %add3A_33, %ge3A : i32
      %convert_element_type3A_35 = arith.extui %ge3A_34 : i1 to i32
      %cond3A_36 = arith.constant 0 : i32
      %cond3A_37 = arith.cmpi ne, %convert_element_type3A_35, %cond3A_36 : i32
      scf.if %cond3A_37 {
        %dma_wait3A_47 = arith.constant 0 : i32
        %dma_wait3A_48 = arith.constant 0 : i32
        %dma_wait3A_49 = tpu.memref_slice %arg13[%dma_wait3A_47, %dma_wait3A_48] : memref<10240x128xf32, #tpu.memory_space<vmem_shared>> -> memref<10240x128xf32, #tpu.memory_space<vmem_shared>>
        tpu.wait_indirect_dma semaphore(%arg16 : memref<!tpu.dma_semaphore, #tpu.memory_space<semaphore_mem>>) src(%arg11 : memref<128x128xf32, #tpu.memory_space<vmem>>) dst(%dma_wait3A_49 : memref<10240x128xf32, #tpu.memory_space<vmem_shared>>)
      } else {
      }
      %dma_wait3A_38 = arith.constant 0 : i32
      %dma_wait3A_39 = arith.constant 0 : i32
      %dma_wait3A_40 = tpu.memref_slice %arg2[%dma_wait3A_38, %dma_wait3A_39] : memref<10240x128xf32, #tpu.memory_space<hbm>> -> memref<10240x128xf32, #tpu.memory_space<hbm>>
      tpu.wait_indirect_dma semaphore(%arg15 : memref<!tpu.dma_semaphore, #tpu.memory_space<semaphore_mem>>) src(%dma_wait3A_40 : memref<10240x128xf32, #tpu.memory_space<hbm>>) dst(%arg12 : memref<128x128xf32, #tpu.memory_space<vmem>>)
      %dma_start3A_41 = arith.constant 0 : i32
      %dma_start3A_42 = arith.constant 0 : i32
      %dma_start3A_43 = tpu.memref_slice %arg13[%dma_start3A_41, %dma_start3A_42] : memref<10240x128xf32, #tpu.memory_space<vmem_shared>> -> memref<10240x128xf32, #tpu.memory_space<vmem_shared>>
      tpu.enqueue_indirect_dma source(%arg12 : memref<128x128xf32, #tpu.memory_space<vmem>>) target(%dma_start3A_43 : memref<10240x128xf32, #tpu.memory_space<vmem_shared>>) offsets(%arg10 : memref<128xi32, #tpu.memory_space<vmem>>) semaphore(%arg17 : memref<!tpu.dma_semaphore, #tpu.memory_space<semaphore_mem>>) {add = true}
      %dma_wait3A_44 = arith.constant 0 : i32
      %dma_wait3A_45 = arith.constant 0 : i32
      %dma_wait3A_46 = tpu.memref_slice %arg13[%dma_wait3A_44, %dma_wait3A_45] : memref<10240x128xf32, #tpu.memory_space<vmem_shared>> -> memref<10240x128xf32, #tpu.memory_space<vmem_shared>>
      tpu.wait_indirect_dma semaphore(%arg17 : memref<!tpu.dma_semaphore, #tpu.memory_space<semaphore_mem>>) src(%arg12 : memref<128x128xf32, #tpu.memory_space<vmem>>) dst(%dma_wait3A_46 : memref<10240x128xf32, #tpu.memory_space<vmem_shared>>)
    }
    %scan3A_14 = arith.constant 40 : i32
    %barrier3A_15 = arith.constant 0 : index
    tpu.barrier barrier_id(%barrier3A_15)
    "tpu.region"() ({
      %run_scoped3A_16 = tpu.sem_alloc : memref<!tpu.dma_semaphore, #tpu.memory_space<semaphore_mem>>
      %dma_start3A_17 = arith.constant 0 : i32
      %dma_start3A_18 = tpu.memref_slice %arg6[%arg0, %mul3A_0, %dma_start3A_17] : memref<2x10240x128xf32, #tpu.memory_space<hbm>> -> memref<1x640x128xf32, #tpu.memory_space<hbm>>
      %dma_start3A_19 = tpu.memref_squeeze %dma_start3A_18 : memref<1x640x128xf32, #tpu.memory_space<hbm>> -> memref<640x128xf32, #tpu.memory_space<hbm>>
      %dma_start3A_20 = arith.constant 0 : i32
      %dma_start3A_21 = tpu.memref_slice %arg13[%mul3A_0, %dma_start3A_20] : memref<10240x128xf32, #tpu.memory_space<vmem_shared>> -> memref<640x128xf32, #tpu.memory_space<vmem_shared>>
      tpu.enqueue_dma source(%dma_start3A_21 : memref<640x128xf32, #tpu.memory_space<vmem_shared>>) target(%dma_start3A_19 : memref<640x128xf32, #tpu.memory_space<hbm>>) target_semaphore(%run_scoped3A_16 : memref<!tpu.dma_semaphore, #tpu.memory_space<semaphore_mem>>)
      %dma_wait3A = arith.constant 0 : i32
      %dma_wait3A_22 = tpu.memref_slice %arg6[%arg0, %mul3A_0, %dma_wait3A] : memref<2x10240x128xf32, #tpu.memory_space<hbm>> -> memref<1x640x128xf32, #tpu.memory_space<hbm>>
      %dma_wait3A_23 = tpu.memref_squeeze %dma_wait3A_22 : memref<1x640x128xf32, #tpu.memory_space<hbm>> -> memref<640x128xf32, #tpu.memory_space<hbm>>
      %dma_wait3A_24 = arith.constant 0 : i32
      %dma_wait3A_25 = tpu.memref_slice %arg13[%mul3A_0, %dma_wait3A_24] : memref<10240x128xf32, #tpu.memory_space<vmem_shared>> -> memref<640x128xf32, #tpu.memory_space<vmem_shared>>
      tpu.wait_dma2 semaphore(%run_scoped3A_16 : memref<!tpu.dma_semaphore, #tpu.memory_space<semaphore_mem>>) src(%dma_wait3A_25 : memref<640x128xf32, #tpu.memory_space<vmem_shared>>) dst(%dma_wait3A_23 : memref<640x128xf32, #tpu.memory_space<hbm>>)
      tpu.yield
    }) : () -> ()
    return
  }
}

module attributes {stable_mosaic.version = 14 : i64} {
  func.func @_tc1_body(%arg0: i32, %arg1: memref<2x400x128xf32, #tpu.memory_space<vmem>>, %arg2: memref<400x128xf32, #tpu.memory_space<vmem>>, %arg3: memref<128x128xf32, #tpu.memory_space<vmem>>, %arg4: memref<400x128xf32, #tpu.memory_space<vmem>>, %arg5: memref<400x1xf32, #tpu.memory_space<vmem>>) attributes {dimension_semantics = [#tpu.dimension_semantics<arbitrary>], iteration_bounds = array<i64: 25>, scalar_prefetch = 0 : i64, scratch_operands = 0 : i64, tpu.core_type = #tpu.core_type<tc>, window_params = [{transform_indices = @transform_0, window_bounds = array<i64: 2, 400, 128>}, {transform_indices = @transform_1, window_bounds = array<i64: 400, 128>}, {pipeline_mode = #tpu.pipeline_mode<synchronous>, transform_indices = @transform_2, window_bounds = array<i64: 128, 128>}, {transform_indices = @transform_3, window_bounds = array<i64: 400, 128>}, {transform_indices = @transform_4, window_bounds = array<i64: 400, 1>}]} {
    %get3A = arith.constant 0 : index
    %get3A_0 = arith.constant 0 : index
    %get3A_1 = arith.constant 0 : index
    %get3A_2 = vector.load %arg1[%get3A, %get3A_0, %get3A_1] : memref<2x400x128xf32, #tpu.memory_space<vmem>>, vector<1x400x1xf32>
    %get3A_3 = vector.shape_cast %get3A_2 : vector<1x400x1xf32> to vector<400x1xf32>
    %get3A_4 = arith.constant 1 : index
    %get3A_5 = arith.constant 0 : index
    %get3A_6 = arith.constant 0 : index
    %get3A_7 = vector.load %arg1[%get3A_4, %get3A_5, %get3A_6] : memref<2x400x128xf32, #tpu.memory_space<vmem>>, vector<1x400x1xf32>
    %get3A_8 = vector.shape_cast %get3A_7 : vector<1x400x1xf32> to vector<400x1xf32>
    %add3A = arith.addf %get3A_3, %get3A_8 : vector<400x1xf32>
    %add3A_9 = arith.constant 1.000000e+00 : f32
    %add3A_10 = vector.broadcast %add3A_9 : f32 to vector<400x1xf32>
    %add3A_11 = arith.addf %add3A, %add3A_10 : vector<400x1xf32>
    %rsqrt3A = math.rsqrt %add3A_11 : vector<400x1xf32>
    %get3A_12 = arith.constant 0 : index
    %get3A_13 = arith.constant 0 : index
    %get3A_14 = vector.load %arg2[%get3A_12, %get3A_13] : memref<400x128xf32, #tpu.memory_space<vmem>>, vector<400x128xf32>
    %get3A_15 = arith.constant 0 : index
    %get3A_16 = arith.constant 0 : index
    %get3A_17 = vector.load %arg3[%get3A_15, %get3A_16] : memref<128x128xf32, #tpu.memory_space<vmem>>, vector<128x128xf32>
    %dot_general3A = arith.constant dense<0.000000e+00> : vector<400x128xf32>
    %dot_general3A_18 = tpu.matmul %get3A_14, %get3A_17, %dot_general3A {dimension_numbers = #tpu.dot_dimension_numbers<[1], [0], [0], [1], [0, 0, 1, 1], [], []>, precision = #tpu.contract_precision<fp32>, transpose_lhs_hint = false} : vector<400x128xf32>, vector<128x128xf32>, vector<400x128xf32> -> vector<400x128xf32>
    %mul3A = vector.broadcast %rsqrt3A : vector<400x1xf32> to vector<400x128xf32>
    %mul3A_19 = arith.mulf %dot_general3A_18, %mul3A : vector<400x128xf32>
    %swap3A = arith.constant 0 : index
    %swap3A_20 = arith.constant 0 : index
    %swap3A_21 = vector.load %arg4[%swap3A, %swap3A_20] : memref<400x128xf32, #tpu.memory_space<vmem>>, vector<400x128xf32>
    tpu.vector_store %arg4[%swap3A, %swap3A_20], %mul3A_19 {strides = array<i32>} : memref<400x128xf32, #tpu.memory_space<vmem>>, vector<400x128xf32>,
    %swap3A_22 = arith.constant 0 : index
    %swap3A_23 = arith.constant 0 : index
    %swap3A_24 = vector.load %arg5[%swap3A_22, %swap3A_23] : memref<400x1xf32, #tpu.memory_space<vmem>>, vector<400x1xf32>
    tpu.vector_store %arg5[%swap3A_22, %swap3A_23], %rsqrt3A {strides = array<i32>} : memref<400x1xf32, #tpu.memory_space<vmem>>, vector<400x1xf32>,
    return
  }
  func.func @transform_0(%arg0: i32) -> (i32, i32, i32) {
    %c0_i32 = arith.constant 0 : i32
    %c0_i32_0 = arith.constant 0 : i32
    %c0_i32_1 = arith.constant 0 : i32
    return %c0_i32, %arg0, %c0_i32_0 : i32, i32, i32
  }
  func.func @transform_1(%arg0: i32) -> (i32, i32) {
    %c0_i32 = arith.constant 0 : i32
    %c0_i32_0 = arith.constant 0 : i32
    return %arg0, %c0_i32 : i32, i32
  }
  func.func @transform_2(%arg0: i32) -> (i32, i32) {
    %c0_i32 = arith.constant 0 : i32
    %c0_i32_0 = arith.constant 0 : i32
    %c0_i32_1 = arith.constant 0 : i32
    return %c0_i32, %c0_i32_0 : i32, i32
  }
  func.func @transform_3(%arg0: i32) -> (i32, i32) {
    %c0_i32 = arith.constant 0 : i32
    %c0_i32_0 = arith.constant 0 : i32
    return %arg0, %c0_i32 : i32, i32
  }
  func.func @transform_4(%arg0: i32) -> (i32, i32) {
    %c0_i32 = arith.constant 0 : i32
    %c0_i32_0 = arith.constant 0 : i32
    return %arg0, %c0_i32 : i32, i32
  }
}

module attributes {stable_mosaic.version = 14 : i64} {
  func.func @_tc2_body(%arg0: i32, %arg1: memref<2x400x128xf32, #tpu.memory_space<vmem>>, %arg2: memref<400x128xf32, #tpu.memory_space<vmem>>, %arg3: memref<400x1xf32, #tpu.memory_space<vmem>>, %arg4: memref<1x128xf32, #tpu.memory_space<vmem>>, %arg5: memref<128x128xf32, #tpu.memory_space<vmem>>, %arg6: memref<400x128xf32, #tpu.memory_space<vmem>>) attributes {dimension_semantics = [#tpu.dimension_semantics<arbitrary>], iteration_bounds = array<i64: 25>, scalar_prefetch = 0 : i64, scratch_operands = 0 : i64, tpu.core_type = #tpu.core_type<tc>, window_params = [{transform_indices = @transform_0, window_bounds = array<i64: 2, 400, 128>}, {transform_indices = @transform_1, window_bounds = array<i64: 400, 128>}, {transform_indices = @transform_2, window_bounds = array<i64: 400, 1>}, {pipeline_mode = #tpu.pipeline_mode<synchronous>, transform_indices = @transform_3, window_bounds = array<i64: 1, 128>}, {pipeline_mode = #tpu.pipeline_mode<synchronous>, transform_indices = @transform_4, window_bounds = array<i64: 128, 128>}, {transform_indices = @transform_5, window_bounds = array<i64: 400, 128>}]} {
    %get3A = arith.constant 0 : index
    %get3A_0 = arith.constant 0 : index
    %get3A_1 = arith.constant 0 : index
    %get3A_2 = vector.load %arg1[%get3A, %get3A_0, %get3A_1] : memref<2x400x128xf32, #tpu.memory_space<vmem>>, vector<1x400x128xf32>
    %get3A_3 = vector.shape_cast %get3A_2 : vector<1x400x128xf32> to vector<400x128xf32>
    %get3A_4 = arith.constant 1 : index
    %get3A_5 = arith.constant 0 : index
    %get3A_6 = arith.constant 0 : index
    %get3A_7 = vector.load %arg1[%get3A_4, %get3A_5, %get3A_6] : memref<2x400x128xf32, #tpu.memory_space<vmem>>, vector<1x400x128xf32>
    %get3A_8 = vector.shape_cast %get3A_7 : vector<1x400x128xf32> to vector<400x128xf32>
    %add3A = arith.addf %get3A_3, %get3A_8 : vector<400x128xf32>
    %get3A_9 = arith.constant 0 : index
    %get3A_10 = arith.constant 0 : index
    %get3A_11 = vector.load %arg2[%get3A_9, %get3A_10] : memref<400x128xf32, #tpu.memory_space<vmem>>, vector<400x128xf32>
    %add3A_12 = arith.addf %add3A, %get3A_11 : vector<400x128xf32>
    %get3A_13 = arith.constant 0 : index
    %get3A_14 = arith.constant 0 : index
    %get3A_15 = vector.load %arg3[%get3A_13, %get3A_14] : memref<400x1xf32, #tpu.memory_space<vmem>>, vector<400x1xf32>
    %mul3A = vector.broadcast %get3A_15 : vector<400x1xf32> to vector<400x128xf32>
    %mul3A_16 = arith.mulf %add3A_12, %mul3A : vector<400x128xf32>
    %get3A_17 = arith.constant 0 : index
    %get3A_18 = arith.constant 0 : index
    %get3A_19 = vector.load %arg4[%get3A_17, %get3A_18] : memref<1x128xf32, #tpu.memory_space<vmem>>, vector<1x128xf32>
    %add3A_20 = vector.broadcast %get3A_19 : vector<1x128xf32> to vector<400x128xf32>
    %add3A_21 = arith.addf %mul3A_16, %add3A_20 : vector<400x128xf32>
    %max3A = arith.constant 0.000000e+00 : f32
    %max3A_22 = vector.broadcast %max3A : f32 to vector<400x128xf32>
    %max3A_23 = arith.maximumf %add3A_21, %max3A_22 : vector<400x128xf32>
    %get3A_24 = arith.constant 0 : index
    %get3A_25 = arith.constant 0 : index
    %get3A_26 = vector.load %arg5[%get3A_24, %get3A_25] : memref<128x128xf32, #tpu.memory_space<vmem>>, vector<128x128xf32>
    %dot_general3A = arith.constant dense<0.000000e+00> : vector<400x128xf32>
    %dot_general3A_27 = tpu.matmul %max3A_23, %get3A_26, %dot_general3A {dimension_numbers = #tpu.dot_dimension_numbers<[1], [0], [0], [1], [0, 0, 1, 1], [], []>, precision = #tpu.contract_precision<fp32>, transpose_lhs_hint = false} : vector<400x128xf32>, vector<128x128xf32>, vector<400x128xf32> -> vector<400x128xf32>
    %get3A_28 = arith.constant 0 : index
    %get3A_29 = arith.constant 0 : index
    %get3A_30 = vector.load %arg3[%get3A_28, %get3A_29] : memref<400x1xf32, #tpu.memory_space<vmem>>, vector<400x1xf32>
    %mul3A_31 = vector.broadcast %get3A_30 : vector<400x1xf32> to vector<400x128xf32>
    %mul3A_32 = arith.mulf %dot_general3A_27, %mul3A_31 : vector<400x128xf32>
    %swap3A = arith.constant 0 : index
    %swap3A_33 = arith.constant 0 : index
    %swap3A_34 = vector.load %arg6[%swap3A, %swap3A_33] : memref<400x128xf32, #tpu.memory_space<vmem>>, vector<400x128xf32>
    tpu.vector_store %arg6[%swap3A, %swap3A_33], %mul3A_32 {strides = array<i32>} : memref<400x128xf32, #tpu.memory_space<vmem>>, vector<400x128xf32>,
    return
  }
  func.func @transform_0(%arg0: i32) -> (i32, i32, i32) {
    %c0_i32 = arith.constant 0 : i32
    %c0_i32_0 = arith.constant 0 : i32
    %c0_i32_1 = arith.constant 0 : i32
    return %c0_i32, %arg0, %c0_i32_0 : i32, i32, i32
  }
  func.func @transform_1(%arg0: i32) -> (i32, i32) {
    %c0_i32 = arith.constant 0 : i32
    %c0_i32_0 = arith.constant 0 : i32
    return %arg0, %c0_i32 : i32, i32
  }
  func.func @transform_2(%arg0: i32) -> (i32, i32) {
    %c0_i32 = arith.constant 0 : i32
    %c0_i32_0 = arith.constant 0 : i32
    return %arg0, %c0_i32 : i32, i32
  }
  func.func @transform_3(%arg0: i32) -> (i32, i32) {
    %c0_i32 = arith.constant 0 : i32
    %c0_i32_0 = arith.constant 0 : i32
    %c0_i32_1 = arith.constant 0 : i32
    return %c0_i32, %c0_i32_0 : i32, i32
  }
  func.func @transform_4(%arg0: i32) -> (i32, i32) {
    %c0_i32 = arith.constant 0 : i32
    %c0_i32_0 = arith.constant 0 : i32
    %c0_i32_1 = arith.constant 0 : i32
    return %c0_i32, %c0_i32_0 : i32, i32
  }
  func.func @transform_5(%arg0: i32) -> (i32, i32) {
    %c0_i32 = arith.constant 0 : i32
    %c0_i32_0 = arith.constant 0 : i32
    return %arg0, %c0_i32 : i32, i32
  }
}

module attributes {stable_mosaic.version = 14 : i64} {
  func.func @_tc3_body(%arg0: i32, %arg1: memref<2x400x128xf32, #tpu.memory_space<vmem>>, %arg2: memref<400x128xf32, #tpu.memory_space<vmem>>, %arg3: memref<400x1xf32, #tpu.memory_space<vmem>>, %arg4: memref<1x128xf32, #tpu.memory_space<vmem>>, %arg5: memref<400x128xf32, #tpu.memory_space<vmem>>, %arg6: memref<400x128xf32, #tpu.memory_space<vmem>>) attributes {dimension_semantics = [#tpu.dimension_semantics<arbitrary>], iteration_bounds = array<i64: 25>, scalar_prefetch = 0 : i64, scratch_operands = 0 : i64, tpu.core_type = #tpu.core_type<tc>, window_params = [{transform_indices = @transform_0, window_bounds = array<i64: 2, 400, 128>}, {transform_indices = @transform_1, window_bounds = array<i64: 400, 128>}, {transform_indices = @transform_2, window_bounds = array<i64: 400, 1>}, {pipeline_mode = #tpu.pipeline_mode<synchronous>, transform_indices = @transform_3, window_bounds = array<i64: 1, 128>}, {transform_indices = @transform_4, window_bounds = array<i64: 400, 128>}, {transform_indices = @transform_5, window_bounds = array<i64: 400, 128>}]} {
    %get3A = arith.constant 0 : index
    %get3A_0 = arith.constant 0 : index
    %get3A_1 = arith.constant 0 : index
    %get3A_2 = vector.load %arg1[%get3A, %get3A_0, %get3A_1] : memref<2x400x128xf32, #tpu.memory_space<vmem>>, vector<1x400x128xf32>
    %get3A_3 = vector.shape_cast %get3A_2 : vector<1x400x128xf32> to vector<400x128xf32>
    %get3A_4 = arith.constant 1 : index
    %get3A_5 = arith.constant 0 : index
    %get3A_6 = arith.constant 0 : index
    %get3A_7 = vector.load %arg1[%get3A_4, %get3A_5, %get3A_6] : memref<2x400x128xf32, #tpu.memory_space<vmem>>, vector<1x400x128xf32>
    %get3A_8 = vector.shape_cast %get3A_7 : vector<1x400x128xf32> to vector<400x128xf32>
    %add3A = arith.addf %get3A_3, %get3A_8 : vector<400x128xf32>
    %get3A_9 = arith.constant 0 : index
    %get3A_10 = arith.constant 0 : index
    %get3A_11 = vector.load %arg2[%get3A_9, %get3A_10] : memref<400x128xf32, #tpu.memory_space<vmem>>, vector<400x128xf32>
    %add3A_12 = arith.addf %add3A, %get3A_11 : vector<400x128xf32>
    %get3A_13 = arith.constant 0 : index
    %get3A_14 = arith.constant 0 : index
    %get3A_15 = vector.load %arg3[%get3A_13, %get3A_14] : memref<400x1xf32, #tpu.memory_space<vmem>>, vector<400x1xf32>
    %mul3A = vector.broadcast %get3A_15 : vector<400x1xf32> to vector<400x128xf32>
    %mul3A_16 = arith.mulf %add3A_12, %mul3A : vector<400x128xf32>
    %get3A_17 = arith.constant 0 : index
    %get3A_18 = arith.constant 0 : index
    %get3A_19 = vector.load %arg4[%get3A_17, %get3A_18] : memref<1x128xf32, #tpu.memory_space<vmem>>, vector<1x128xf32>
    %add3A_20 = vector.broadcast %get3A_19 : vector<1x128xf32> to vector<400x128xf32>
    %add3A_21 = arith.addf %mul3A_16, %add3A_20 : vector<400x128xf32>
    %reduce_max3A = arith.constant dense<0xFF800000> : vector<400xf32>
    %reduce_max3A_22 = vector.multi_reduction <maximumf>, %add3A_21, %reduce_max3A [1] : vector<400x128xf32> to vector<400xf32>
    %broadcast_in_dim3A = vector.shape_cast %reduce_max3A_22 : vector<400xf32> to vector<400x1xf32>
    %sub3A = vector.broadcast %broadcast_in_dim3A : vector<400x1xf32> to vector<400x128xf32>
    %sub3A_23 = arith.subf %add3A_21, %sub3A : vector<400x128xf32>
    %exp3A = math.exp %sub3A_23 : vector<400x128xf32>
    %reduce_sum3A = arith.constant dense<0.000000e+00> : vector<400xf32>
    %reduce_sum3A_24 = vector.multi_reduction <add>, %exp3A, %reduce_sum3A [1] : vector<400x128xf32> to vector<400xf32>
    %broadcast_in_dim3A_25 = vector.shape_cast %reduce_sum3A_24 : vector<400xf32> to vector<400x1xf32>
    %log3A = math.log %broadcast_in_dim3A_25 : vector<400x1xf32>
    %add3A_26 = arith.addf %log3A, %broadcast_in_dim3A : vector<400x1xf32>
    %sub3A_27 = vector.broadcast %add3A_26 : vector<400x1xf32> to vector<400x128xf32>
    %sub3A_28 = arith.subf %add3A_21, %sub3A_27 : vector<400x128xf32>
    %swap3A = arith.constant 0 : index
    %swap3A_29 = arith.constant 0 : index
    %swap3A_30 = vector.load %arg5[%swap3A, %swap3A_29] : memref<400x128xf32, #tpu.memory_space<vmem>>, vector<400x128xf32>
    tpu.vector_store %arg5[%swap3A, %swap3A_29], %sub3A_28 {strides = array<i32>} : memref<400x128xf32, #tpu.memory_space<vmem>>, vector<400x128xf32>,
    %swap3A_31 = arith.constant 0 : index
    %swap3A_32 = arith.constant 0 : index
    %swap3A_33 = vector.load %arg6[%swap3A_31, %swap3A_32] : memref<400x128xf32, #tpu.memory_space<vmem>>, vector<400x128xf32>
    tpu.vector_store %arg6[%swap3A_31, %swap3A_32], %add3A_21 {strides = array<i32>} : memref<400x128xf32, #tpu.memory_space<vmem>>, vector<400x128xf32>,
    return
  }
  func.func @transform_0(%arg0: i32) -> (i32, i32, i32) {
    %c0_i32 = arith.constant 0 : i32
    %c0_i32_0 = arith.constant 0 : i32
    %c0_i32_1 = arith.constant 0 : i32
    return %c0_i32, %arg0, %c0_i32_0 : i32, i32, i32
  }
  func.func @transform_1(%arg0: i32) -> (i32, i32) {
    %c0_i32 = arith.constant 0 : i32
    %c0_i32_0 = arith.constant 0 : i32
    return %arg0, %c0_i32 : i32, i32
  }
  func.func @transform_2(%arg0: i32) -> (i32, i32) {
    %c0_i32 = arith.constant 0 : i32
    %c0_i32_0 = arith.constant 0 : i32
    return %arg0, %c0_i32 : i32, i32
  }
  func.func @transform_3(%arg0: i32) -> (i32, i32) {
    %c0_i32 = arith.constant 0 : i32
    %c0_i32_0 = arith.constant 0 : i32
    %c0_i32_1 = arith.constant 0 : i32
    return %c0_i32, %c0_i32_0 : i32, i32
  }
  func.func @transform_4(%arg0: i32) -> (i32, i32) {
    %c0_i32 = arith.constant 0 : i32
    %c0_i32_0 = arith.constant 0 : i32
    return %arg0, %c0_i32 : i32, i32
  }
  func.func @transform_5(%arg0: i32) -> (i32, i32) {
    %c0_i32 = arith.constant 0 : i32
    %c0_i32_0 = arith.constant 0 : i32
    return %arg0, %c0_i32 : i32, i32
  }
}

</mosaic_0001>

<sc_bundles>
// kernel: kernel.11.cloned.1.call-start
scs
__scs_entry_jumppad:
0x0: {  	(pc) =	sbr.rel $0x88, $3  }
0x1: {  	(tag) =	ssettag $0x0;
	lr =	simm.s32 $0x1  }
0x2: {  	[smem:$0x3F9B] =	sst lr;
	_ =	strace $0xD0000000  }
0x3: {  	_ = 	snop  }
0x4: {  	_ = 	snop  }
0x5: {  	_ = 	snop  }
0x6: {  	_ = 	snop  }
0x7: {  	_ = 	snop  }
__scs_overlays_trampoline_lowered:
0x8: {  	[smem:$0x3FAA] =	sst s0  }
0x9: {  	[smem:$0x3FAB] =	sst s1  }
0xa: {  	[smem:$0x3FAC] =	sst s2  }
0xb: {  	[smem:$0x3FAD] =	sst s3  }
0xc: {  	[smem:$0x3FAE] =	sst s4  }
0xd: {  	[smem:$0x3FAF] =	sst s5  }
0xe: {  	[smem:$0x3FB0] =	sst s6  }
0xf: {  	[smem:$0x3FB1] =	sst s7  }
0x10: {  	[smem:$0x3FB2] =	sst s8  }
0x11: {  	[smem:$0x3FB3] =	sst s9;
	s0 =	simm.s32 @!p0 $0x0  }
0x12: {  	s1 =	sld [smem:$0x3F99];
	s0 =	simm.s32 @p0 $0x1  }
0x13: {  	[smem:$0x3FB4] =	sst s0;
	s0 =	simm.s32 @!p1 $0x0  }
0x14: {  	s2 =	sld [smem:$0x3F98];
	s0 =	simm.s32 @p1 $0x1  }
0x15: {  	[smem:$0x3FB5] =	sst s0;
	s0 =	simm.s32 @!p2 $0x0  }
0x16: {  	s3 =	sld [smem:$0x3FDB];
	s0 =	simm.s32 @p2 $0x1  }
0x17: {  	s4 =	simm.s32 $0x1BF5;
	[smem:$0x3FB7] =	sst s0  }
0x18: {  	s0 =	sld [smem:$0x3F9A];
	_ =	swait.ge [sflag:s4], $0x0  }
0x19: {  	s7 =	sld [smem:$0x3F9B]  }
0x1a: {  	s8 =	sadd.s32 $0xFFFFE003, lr  }
0x1b: {  	s9 =	sadd.s32 $0xFFFFFEF7, lr;
	s5 =	simm.s32 $0xFFFFFFFF;
	p2 =	slt.u32 s8, $0xFFFFF086  }
0x1c: {  	p1 =	slt.u32 s9, $0xF7A;
	s5 =	simm.s32 @!p2 $0x0  }
0x1d: {  	s5 =	simm.s32 @p1 $0x1;
	p0 =	seq.s32 s7, s2  }
0x1e: {  	s7 =	smul.u32 @!p0 $0xF7A, s2;
	p2 =	seq.s32 @!p0 s5, $0x0  }
0x1f: {  	s9 =	smul.u32 $0xF7A, s1;
	s8 =	simm.s32 @!p0 $0x1BF5;
	p2 =	por !p2, p0  }
0x20: {  	[sflag:s8] =	ssyncset.s32 @!p0 $0xFFFFF086;
	s6 =	sadd.s32 @!p0 s3, s7;
	s7 =	simm.s32 @!p0 $0x108  }
0x21: {  	s3 =	sadd.s32 s3, s9;
	s6 =	sadd.s32 @!p0 $0x88, s6;
	s7 =	simm.s32 @p2 $0x1082  }
0x22: {  	[simem:s7], [sflag:s8] =	dma.local @!p0 [hbm:s6], $0xF7A  }
0x23: {  	s9 =	sor.u32 $0xD0000000, s2;
	s6 =	simm.s32 $0x108;
	_ =	swait.ge @!p0 [sflag:s8], $0x0  }
0x24: {  	s3 =	sadd.s32 $0x88, s3;
	s6 =	simm.s32 @!p1 $0x1082;
	[sflag:s4] =	ssyncset.s32 $0xFFFFF086  }
0x25: {  	[simem:s6], [sflag:s4] =	dma.local [hbm:s3], $0xF7A  }
0x26: {  	[smem:$0x3F9B] =	sst s1;
	(tag) =	ssettag s2;
	_ =	strace s9  }
0x27: {  	s1 =	sld [smem:$0x3FAB]  }
0x28: {  	s2 =	sld [smem:$0x3FAC]  }
0x29: {  	s4 =	sld [smem:$0x3FAE]  }
0x2a: {  	p0 =	seq.s32 s5, $0x0;
	s5 =	sld [smem:$0x3FAF]  }
0x2b: {  	s6 =	sld [smem:$0x3FB0]  }
0x2c: {  	s7 =	sld [smem:$0x3FB1]  }
0x2d: {  	s3 =	simm.s32 $0x108;
	s8 =	sld [smem:$0x3FB2]  }
0x2e: {  	s3 =	simm.s32 @!p0 $0x1082;
	s9 =	sld [smem:$0x3FB3]  }
0x2f: {  	lr =	sadd.s32 s0, s3;
	s0 =	sld [smem:$0x3FAA]  }
0x30: {  	s3 =	sld [smem:$0x3FAD]  }
0x31: {  	[smem:$0x3FB6] =	sst s10  }
0x32: {  	s10 =	sld [smem:$0x3FB4];
	_ =	sdelay $0x3  }
0x33: {  	p0 =	seq.s32 s10, $0x1;
	s10 =	sld [smem:$0x3FB6];
	_ =	sdelay $0x3  }
0x34: {  	[smem:$0x3FB6] =	sst s10  }
0x35: {  	s10 =	sld [smem:$0x3FB5];
	_ =	sdelay $0x3  }
0x36: {  	p1 =	seq.s32 s10, $0x1;
	s10 =	sld [smem:$0x3FB6];
	_ =	sdelay $0x3  }
0x37: {  	[smem:$0x3FB6] =	sst s10  }
0x38: {  	s10 =	sld [smem:$0x3FB7]  }
0x39: {  	_ = 	snop;
	(pc) =	sbr.ind lr, $3  }
0x3a: {  	_ = 	snop  }
0x3b: {  	_ = 	snop  }
0x3c: {  	p2 =	seq.s32 s10, $0x1;
	s10 =	sld [smem:$0x3FB6]  }
0x3d: {  	_ =	shalt  }
0x3e: {  	_ =	shalt  }
0x3f: {  	_ =	shalt  }
0x40: {  	_ =	shalt  }
0x41: {  	_ =	shalt  }
0x42: {  	_ =	shalt  }
0x43: {  	_ =	shalt  }
0x44: {  	_ =	shalt  }
0x45: {  	_ =	shalt  }
0x46: {  	_ =	shalt  }
0x47: {  	_ =	shalt  }
0x48: {  	_ =	shalt  }
0x49: {  	_ =	shalt  }
0x4a: {  	_ =	shalt  }
0x4b: {  	_ =	shalt  }
0x4c: {  	_ =	shalt  }
0x4d: {  	_ =	shalt  }
0x4e: {  	_ =	shalt  }
0x4f: {  	_ =	shalt  }
0x50: {  	_ =	shalt  }
0x51: {  	_ =	shalt  }
0x52: {  	_ =	shalt  }
0x53: {  	_ =	shalt  }
0x54: {  	_ =	shalt  }
0x55: {  	_ =	shalt  }
0x56: {  	_ =	shalt  }
0x57: {  	_ =	shalt  }
0x58: {  	_ =	shalt  }
0x59: {  	_ =	shalt  }
0x5a: {  	_ =	shalt  }
0x5b: {  	_ =	shalt  }
0x5c: {  	_ =	shalt  }
0x5d: {  	_ =	shalt  }
0x5e: {  	_ =	shalt  }
0x5f: {  	_ =	shalt  }
0x60: {  	_ =	shalt  }
0x61: {  	_ =	shalt  }
0x62: {  	_ =	shalt  }
0x63: {  	_ =	shalt  }
0x64: {  	_ =	shalt  }
0x65: {  	_ =	shalt  }
0x66: {  	_ =	shalt  }
0x67: {  	_ =	shalt  }
0x68: {  	_ =	shalt  }
0x69: {  	_ =	shalt  }
0x6a: {  	_ =	shalt  }
0x6b: {  	_ =	shalt  }
0x6c: {  	_ =	shalt  }
0x6d: {  	_ =	shalt  }
0x6e: {  	_ =	shalt  }
0x6f: {  	_ =	shalt  }
0x70: {  	_ =	shalt  }
0x71: {  	_ =	shalt  }
0x72: {  	_ =	shalt  }
0x73: {  	_ =	shalt  }
0x74: {  	_ =	shalt  }
0x75: {  	_ =	shalt  }
0x76: {  	_ =	shalt  }
0x77: {  	_ =	shalt  }
0x78: {  	_ =	shalt  }
0x79: {  	_ =	shalt  }
0x7a: {  	_ =	shalt  }
0x7b: {  	_ =	shalt  }
0x7c: {  	_ =	shalt  }
0x7d: {  	_ =	shalt  }
0x7e: {  	_ =	shalt  }
0x7f: {  	_ =	shalt  }
0x80: {  	_ =	shalt  }
0x81: {  	_ =	shalt  }
0x82: {  	_ =	shalt  }
0x83: {  	_ =	shalt  }
0x84: {  	_ =	shalt  }
0x85: {  	_ =	shalt  }
0x86: {  	_ =	shalt  }
0x87: {  	_ =	shalt  }
.Lfunc_end0:
.L_simem_size_0:
called_computation.1_lowered:
.L_overlay_start_0:
0x88: {  	s2 =	sld [smem:$0x3FD9]  }
0x89: {  	s3 =	sld [smem:$0x3FFE];
	_ =	sdelay $0x1  }
0x8a: {  	s1 =	srdreg.scid  }
0x8b: {  	s0 =	sand.u32 $0x1, s1  }
0x8c: {  	s14 =	sshll.u32 s0, $0xA;
	s2 =	sadd.s32 s3, s2  }
0x8d: {  	s2 =	sadd.s32 s2, s14  }
0x8e: {  	[smem:$0x3FC2] =	sst s2  }
0x8f: {  	_ = 	snop  }
0x90: {  	s2 =	sld [smem:$0x3FD0];
	_ =	sdelay $0x2  }
0x91: {  	s15 =	simm.s32 $0xA;
	s4 =	simm.s32 $0x10  }
0x92: {  	[smem:s4], [sflag:s15] =	dma.local [hbm:s2], $0x1  }
0x93: {  	_ =	swait.eq [sflag:s15], $0x1  }
0x94: {  	[sflag:s15] =	ssyncset.done $0x0  }
0x95: {  	s16 =	sld [smem:$0x10];
	[sflag:s15] =	ssyncadd.s32 $0xFFFFFFFF  }
0x96: {  	s17 =	sld [smem:$0x11];
	(tm) =	ssettm $0x1  }
0x97: {  	s18 =	sld [smem:$0x3FFB];
	_ =	sdelay $0x3  }
0x98: {  	_ =	strace s18  }
0x99: {  	s4 =	sld [smem:$0x3FFC];
	_ =	sdelay $0x3  }
0x9a: {  	_ =	strace s4  }
0x9b: {  	s4 =	sld [smem:$0x3FFD];
	_ =	sdelay $0x3  }
0x9c: {  	_ =	strace s4  }
0x9d: {  	_ =	strace $0x8FFFFFFF  }
0x9e: {  	s19 =	sld [smem:$0x3FDB];
	_ =	sdelay $0x1  }
0x9f: {  	s5 =	simm.s32 $_scs_section_size  }
0xa0: {  	s6 =	simm.s32 $_size__tile_overlayer_lowered;
	s7 =	simm.s32 $_tile_overlayer_lowered  }
0xa1: {  	s22 =	simm.s32 $0x1BFF;
	s21 =	sshll.u32 s7, $0x1;
	s4 =	sadd.s32 s5, s19  }
0xa2: {  	s8 =	simm.s32 $0x0;
	s20 =	sshll.u32 s6, $0x1;
	s6 =	sadd.s32 s21, s4  }
0xa3: {  	[timem:s8], [sflag:s22] =	dma.local [hbm:s6], s20  }
0xa4: {  	_ =	swait.ge [sflag:s22], s20  }
0xa5: {  	s5 =	ssub.s32 $0x0, s20;
	[sflag:s22] =	ssyncset.done $0x0  }
0xa6: {  	[sflag:s22] =	ssyncadd.s32 s5;
	_ =	sdelay $0x1  }
0xa7: {  	s23 =	simm.s32 $0x1B8B  }
0xa8: {  	_ =	swait.ge [sflag:s23], $0x1  }
0xa9: {  	[sflag:s23] =	ssyncset.done $0x0  }
0xaa: {  	s25 =	simm.s32 $0x1B8E;
	s24 =	sld [smem:$0x3FFE];
	[sflag:s23] =	ssyncadd.s32 $0xFFFFFFFF  }
0xab: {  	s26 =	simm.s32 $execute0_lowered;
	[smem:$0x3FD2] =	sst s25  }
0xac: {  	s6 =	sshll.u32 s26, $0x1;
	_ =	strace $0x80000049;
	[dreg:$0x1] =	wrdreg $0xFFFFFFFF  }
0xad: {  	s28 =	simm.s32 $_size_execute0_lowered;
	s4 =	sadd.s32 s4, s6;
	[dreg:$0x0] =	wrdreg $0x0  }
0xae: {  	s6 =	sshll.u32 s28, $0x1;
	[dreg:$0x2] =	wrdreg s4  }
0xaf: {  	[dreg:$0x3] =	wrdreg s6  }
0xb0: {  	[dreg:$0x4] =	wrdreg $0xC0  }
0xb1: {  	_ =	task [dreg:s8], $0x5FFFF  }
0xb2: {  	[dreg:$0x1] =	wrdreg $0xFFFFFFFF  }
0xb3: {  	[dreg:$0x0] =	wrdreg $0x60  }
0xb4: {  	[dreg:$0x2] =	wrdreg s24  }
0xb5: {  	[dreg:$0x3] =	wrdreg s16  }
0xb6: {  	[dreg:$0x4] =	wrdreg s17  }
0xb7: {  	[dreg:$0x5] =	wrdreg $0x82000  }
0xb8: {  	[dreg:$0x6] =	wrdreg $0x9  }
0xb9: {  	_ =	task.clear_ibuf [dreg:s8], $0x7FFFF;
	_ =	strace $0x90000049  }
0xba: {  	s29 =	simm.s32 $0x9;
	_ =	strace $0x8000004B  }
0xbb: {  	_ =	swait.ge [sflag:s29], $0x1  }
0xbc: {  	[sflag:s29] =	ssyncadd.s32 $0xFFFFFFFF  }
0xbd: {  	_ =	strace $0x9000004B  }
0xbe: {  	_ =	sfence  }
0xbf: {  	s30 =	sld [smem:$0x0];
	_ =	sdelay $0x2  }
0xc0: {  	s31 =	sshll.u32 s1, $0xD;
	s1 =	sshrl.u32 s1, $0x2  }
0xc1: {  	s3 =	sand.u32 $0x4000, s31;
	s1 =	sadd.s32 s1, s30  }
0xc2: {  	s0 =	sor.u32 s3, s0;
	s1 =	sshll.u32 s1, $0x11  }
0xc3: {  	s0 =	sor.u32 s1, s0  }
0xc4: {  	s0 =	sadd.s32 $0x8F2B, s0  }
0xc5: {  	[sflag:s0] =	ssyncadd.remote.s32 $0x1  }
0xc6: {  	_ =	sfence.sel $0xFFFF  }
0xc7: {  	[dreg:$0x0] =	wrdreg $0xFFFFFFFF;
	(pc) =	sbr.abs _section_cstart, $3  }
0xc8: {  	[dreg:$0x1] =	wrdreg $0xFFFFFFFF  }
0xc9: {  	_ =	task.clear_ibuf [dreg:s8], $0x2FFFF;
	_ =	strace $0x9FFFFFFF  }
0xca: {  	(tm) =	ssettm $0x7FFFFFFF  }
0xcb: {  	_ =	shalt  }
tec
execute0_lowered:
.L_overlay_start_1:
0x0: {  	(tag) =	ssettag $0x1  }
0x1: {  	s0 =	rddreg [dreg:$0x0]  }
0x2: {  	s1 =	rddreg [dreg:$0x1]  }
0x3: {  	s2 =	rddreg [dreg:$0x2]  }
0x4: {  	s3 =	rddreg [dreg:$0x3]  }
0x5: {  	s4 =	srdreg.scid;
	s5 =	simm.s32 $0x0;
	s10 =	stileid.u32  }
0x6: {  	s20 =	simm.s32 $0x200;
	s28 =	simm.s32 $0x3;
	s8 =	smul.u32 $0x14000, s10  }
0x7: {  	s29 =	simm.s32 $0x2;
	s30 =	simm.s32 $0x4;
	s21 =	smul.u32 $0x2800, s10  }
0x8: {  	s31 =	simm.s32 $0x0;
	s4 =	sand.u32 $0x1, s4;
	s10 =	smul.u32 $0x50000, s10  }
0x9: {  	[smem:$0x7FF] =	sst s5;
	s6 =	sadd.s32 $0x3000, s0;
	s7 =	smul.u32 $0x140000, s4  }
0xa: {  	s11 =	sadd.s32 $0x2800, s0;
	s9 =	smul.u32 $0x28000, s4;
	s4 =	ssub.s32 $0x2, s4  }
0xb: {  	_ =	strace $0x8000004A;
	[dreg:$0x5] =	wrdreg s11;
	s22 =	sshrl.u32 s4, $0x1  }
0xc: {  	s23 =	sshrl.u32 s10, $0x2;
	s7 =	sadd.s32 s8, s7;
	s8 =	sadd.s32 s21, s9  }
0xd: {  	s4 =	ssub.s32 s4, s22;
	s9 =	sadd.s32 s23, s3;
	s21 =	simm.s32 $0x5  }
0xe: {  	s22 =	simm.s32 $0x80;
	s23 =	simm.s32 $0x100;
	s7 =	sshrl.u32 s7, $0x3  }
0xf: {  	s13 =	sshrl.u32 s8, $0x3;
	s15 =	sadd.s32 $0x4000, s9;
	s16 =	sadd.s32 $0x8000, s9  }
0x10: {  	s17 =	sadd.s32 $0xC000, s9;
	s18 =	sadd.s32 $0x10000, s9;
	s24 =	sadd.s32 s1, s13  }
0x11: {  	s0 =	sadd.s32 s7, s0;
	s25 =	sadd.s32 s2, s13;
	[dreg:$0x6] =	wrdreg s24  }
0x12: {  	s26 =	sadd.s32 $0x4F0, s13;
	s13 =	smax.u32 s4, $0x1;
	[dreg:$0x7] =	wrdreg s25  }
0x13: {  	s12 =	sadd.s32 $0x2B000, s0;
	s14 =	sadd.s32 s1, s26;
	s19 =	sadd.s32 s2, s26  }
0x14: {  	s24 =	simm.s32 $0x180;
	s25 =	simm.s32 $0x4200;
	s26 =	simm.s32 $0x1  }
.LBB2_1:
0x15: {  	s0 =	rddreg [dreg:$0x5]  }
0x16: {  	[tilespmem:s20], [sflag:$0x5] =	stream.linear.gather [hbm4b:s0+s5], $0x4000, $0x38;
	[tilespmem:$0x1C200] =	vst v63  }
0x17: {  	_ =	swait.ge [sflag:s21], $0x4000  }
0x18: {  	[sflag:s21] =	ssyncset.done $0x0  }
0x19: {  	[sflag:s21] =	ssyncadd.s32 $0xFFFFC000  }
0x1a: {  	[spmem:s9] =	stream.linear.scatter [tilespmem:s20], [sflag:$0x5], $0x4000, $0x38;
	[tilespmem:$0x1C200] =	vst v63  }
0x1b: {  	_ =	swait.ge [sflag:s21], $0x4000  }
0x1c: {  	[sflag:s21] =	ssyncset.done $0x0  }
0x1d: {  	[sflag:s21] =	ssyncadd.s32 $0xFFFFC000  }
0x1e: {  	[spmem:s15] =	stream.linear.scatter [tilespmem:s20], [sflag:$0x5], $0x4000, $0x38;
	[tilespmem:$0x1C200] =	vst v63  }
0x1f: {  	_ =	swait.ge [sflag:s21], $0x4000  }
0x20: {  	[sflag:s21] =	ssyncset.done $0x0  }
0x21: {  	[sflag:s21] =	ssyncadd.s32 $0xFFFFC000  }
0x22: {  	[spmem:s16] =	stream.linear.scatter [tilespmem:s20], [sflag:$0x5], $0x4000, $0x38;
	[tilespmem:$0x1C200] =	vst v63  }
0x23: {  	_ =	swait.ge [sflag:s21], $0x4000  }
0x24: {  	[sflag:s21] =	ssyncset.done $0x0  }
0x25: {  	[sflag:s21] =	ssyncadd.s32 $0xFFFFC000  }
0x26: {  	[spmem:s17] =	stream.linear.scatter [tilespmem:s20], [sflag:$0x5], $0x4000, $0x38;
	[tilespmem:$0x1C200] =	vst v63  }
0x27: {  	_ =	swait.ge [sflag:s21], $0x4000  }
0x28: {  	[sflag:s21] =	ssyncset.done $0x0  }
0x29: {  	[sflag:s21] =	ssyncadd.s32 $0xFFFFC000  }
0x2a: {  	[spmem:s18] =	stream.linear.scatter [tilespmem:s20], [sflag:$0x5], $0x4000, $0x38;
	[tilespmem:$0x1C200] =	vst v63  }
0x2b: {  	_ =	swait.ge [sflag:s21], $0x4000  }
0x2c: {  	[sflag:s21] =	ssyncset.done $0x0  }
0x2d: {  	[sflag:s21] =	ssyncadd.s32 $0xFFFFC000  }
0x2e: {  	[bflag:$0x0] =	sbarrier.arrive $0xFFFF  }
0x2f: {  	s4 =	rddreg [dreg:$0x6]  }
0x30: {  	[tilespmem:s5], [sflag:$0x5] =	stream.linear.gather [hbm4b:s4+s5], $0x80, $0x38;
	[tilespmem:$0x1C200] =	vst v63  }
0x31: {  	s10 =	simm.s32 $0x0;
	_ =	swait.ge [sflag:s21], $0x80  }
0x32: {  	s0 =	sand.u32 $0x300, s10;
	s4 =	sand.u32 $0x3C00, s10;
	[sflag:s21] =	ssyncset.done $0x0  }
0x33: {  	s4 =	sadd.s32 s8, s4;
	s7 =	rddreg [dreg:$0x7];
	[sflag:s21] =	ssyncadd.s32 $0xFFFFFF80  }
0x34: {  	[tilespmem:s22], [sflag:$0x5] =	stream.linear.gather [hbm4b:s7+s5], $0x80, $0x38;
	[tilespmem:$0x1C200] =	vst v63  }
0x35: {  	s0 =	sor.u32 s4, s0;
	_ =	swait.ge [sflag:s21], $0x80  }
0x36: {  	s0 =	sor.u32 $0x80, s0;
	[sflag:s21] =	ssyncset.done $0x0  }
0x37: {  	s0 =	sshrl.u32 s0, $0x3;
	[sflag:s21] =	ssyncadd.s32 $0xFFFFFF80  }
0x38: {  	[tilespmem:s20], [sflag:$0x1] =	stream.indirect.gather [hbm4b:s6+s22], $0x80, s5, s22, $0xb8;
	[tilespmem:$0x1C200] =	vst v63  }
0x39: {  	s11 =	sadd.s32 s1, s0  }
0x3a: {  	[tilespmem:s23], [sflag:$0x5] =	stream.linear.gather [hbm4b:s11+s5], $0x80, $0x38;
	[tilespmem:$0x1C200] =	vst v63  }
0x3b: {  	_ =	swait.ge [sflag:s21], $0x80  }
0x3c: {  	[sflag:s21] =	ssyncset.done $0x0  }
0x3d: {  	s0 =	sadd.s32 s2, s0;
	[sflag:s21] =	ssyncadd.s32 $0xFFFFFF80  }
0x3e: {  	[tilespmem:s24], [sflag:$0x5] =	stream.linear.gather [hbm4b:s0+s5], $0x80, $0x38;
	[tilespmem:$0x1C200] =	vst v63  }
0x3f: {  	_ =	swait.ge [sflag:s21], $0x80  }
0x40: {  	[sflag:s21] =	ssyncset.done $0x0  }
0x41: {  	[sflag:s21] =	ssyncadd.s32 $0xFFFFFF80  }
0x42: {  	[tilespmem:s25], [sflag:$0x2] =	stream.indirect.gather [hbm4b:s6+s22], $0x80, s23, s22, $0xb8;
	[tilespmem:$0x1C200] =	vst v63  }
0x43: {  	_ =	swait.ge [sflag:s26], $0x4000  }
0x44: {  	s4 =	sand.u32 $0x7C00, s23;
	[sflag:s26] =	ssyncset.done $0x0  }
0x45: {  	s7 =	sand.u32 $0x300, s23;
	s0 =	sadd.s32 s8, s4;
	[sflag:s26] =	ssyncadd.s32 $0xFFFFC000  }
0x46: {  	[spmem:s3] =	stream.indirect.scatter.add.f32 [tilespmem:s20], [sflag:$0x3], $0x80, s22, s22, $0xb8;
	[tilespmem:$0x1C200] =	vst v63  }
0x47: {  	s0 =	sor.u32 s7, s0;
	_ =	swait.ge [sflag:s28], $0x4000  }
0x48: {  	s0 =	sshrl.u32 s0, $0x3;
	[sflag:s28] =	ssyncset.done $0x0  }
0x49: {  	s10 =	sadd.s32 s1, s0;
	[sflag:s28] =	ssyncadd.s32 $0xFFFFC000  }
0x4a: {  	[tilespmem:s5], [sflag:$0x5] =	stream.linear.gather [hbm4b:s10+s5], $0x80, $0x38;
	[tilespmem:$0x1C200] =	vst v63  }
0x4b: {  	_ =	swait.ge [sflag:s21], $0x80  }
0x4c: {  	[sflag:s21] =	ssyncset.done $0x0  }
0x4d: {  	s11 =	simm.s32 $0x100;
	s0 =	sadd.s32 s2, s0;
	[sflag:s21] =	ssyncadd.s32 $0xFFFFFF80  }
0x4e: {  	[tilespmem:s22], [sflag:$0x5] =	stream.linear.gather [hbm4b:s0+s5], $0x80, $0x38;
	[tilespmem:$0x1C200] =	vst v63  }
0x4f: {  	s7 =	sand.u32 $0x3C00, s11;
	_ =	swait.ge [sflag:s21], $0x80  }
0x50: {  	s4 =	sand.u32 $0x300, s11;
	s7 =	sadd.s32 s8, s7;
	[sflag:s21] =	ssyncset.done $0x0  }
0x51: {  	s7 =	sor.u32 s7, s4;
	[sflag:s21] =	ssyncadd.s32 $0xFFFFFF80  }
0x52: {  	[tilespmem:s20], [sflag:$0x1] =	stream.indirect.gather [hbm4b:s6+s22], $0x80, s5, s22, $0xb8;
	[tilespmem:$0x1C200] =	vst v63  }
0x53: {  	s4 =	simm.s32 $0x300;
	s0 =	simm.s32 $0x200;
	_ =	swait.ge [sflag:s29], $0x4000  }
.LBB2_2:
0x54: {  	p0 =	sne.s32 s4, $0x2700  }
0x55: {  	[sflag:s29] =	ssyncset.done $0x0;
	s10 =	smov.u32 s4;
	s4 =	sadd.s32 $0x100, s4  }
0x56: {  	[sflag:s29] =	ssyncadd.s32 $0xFFFFC000  }
0x57: {  	[spmem:s3] =	stream.indirect.scatter.add.f32 [tilespmem:s25], [sflag:$0x4], $0x80, s24, s22, $0xb8;
	[tilespmem:$0x1C200] =	vst v63  }
0x58: {  	s7 =	sor.u32 $0x80, s7;
	_ =	swait.ge [sflag:s30], $0x4000  }
0x59: {  	s7 =	sshrl.u32 s7, $0x3;
	[sflag:s30] =	ssyncset.done $0x0  }
0x5a: {  	s11 =	sadd.s32 s1, s7;
	[sflag:s30] =	ssyncadd.s32 $0xFFFFC000  }
0x5b: {  	[tilespmem:s23], [sflag:$0x5] =	stream.linear.gather [hbm4b:s11+s5], $0x80, $0x38;
	[tilespmem:$0x1C200] =	vst v63  }
0x5c: {  	_ =	swait.ge [sflag:s21], $0x80  }
0x5d: {  	[sflag:s21] =	ssyncset.done $0x0  }
0x5e: {  	s7 =	sadd.s32 s2, s7;
	[sflag:s21] =	ssyncadd.s32 $0xFFFFFF80  }
0x5f: {  	[tilespmem:s24], [sflag:$0x5] =	stream.linear.gather [hbm4b:s7+s5], $0x80, $0x38;
	[tilespmem:$0x1C200] =	vst v63  }
0x60: {  	_ =	swait.ge [sflag:s21], $0x80  }
0x61: {  	[sflag:s21] =	ssyncset.done $0x0  }
0x62: {  	[sflag:s21] =	ssyncadd.s32 $0xFFFFFF80  }
0x63: {  	[tilespmem:s25], [sflag:$0x2] =	stream.indirect.gather [hbm4b:s6+s22], $0x80, s23, s22, $0xb8;
	[tilespmem:$0x1C200] =	vst v63  }
0x64: {  	_ =	swait.ge [sflag:s26], $0x4000  }
0x65: {  	[sflag:s26] =	ssyncset.done $0x0  }
0x66: {  	s11 =	sand.u32 $0x300, s0;
	s7 =	sand.u32 $0x7C00, s0;
	[sflag:s26] =	ssyncadd.s32 $0xFFFFC000  }
0x67: {  	[spmem:s3] =	stream.indirect.scatter.add.f32 [tilespmem:s20], [sflag:$0x3], $0x80, s22, s22, $0xb8;
	[tilespmem:$0x1C200] =	vst v63  }
0x68: {  	s0 =	smov.u32 s10;
	s7 =	sadd.s32 s8, s7;
	_ =	swait.ge [sflag:s28], $0x4000  }
0x69: {  	s7 =	sor.u32 s11, s7;
	[sflag:s28] =	ssyncset.done $0x0  }
0x6a: {  	s7 =	sshrl.u32 s7, $0x3;
	[sflag:s28] =	ssyncadd.s32 $0xFFFFC000  }
0x6b: {  	s10 =	sadd.s32 s1, s7  }
0x6c: {  	[tilespmem:s5], [sflag:$0x5] =	stream.linear.gather [hbm4b:s10+s5], $0x80, $0x38;
	[tilespmem:$0x1C200] =	vst v63  }
0x6d: {  	_ =	swait.ge [sflag:s21], $0x80  }
0x6e: {  	s7 =	sadd.s32 s2, s7;
	[sflag:s21] =	ssyncset.done $0x0  }
0x6f: {  	[sflag:s21] =	ssyncadd.s32 $0xFFFFFF80  }
0x70: {  	[tilespmem:s22], [sflag:$0x5] =	stream.linear.gather [hbm4b:s7+s5], $0x80, $0x38;
	[tilespmem:$0x1C200] =	vst v63  }
.Ltmp0:
0x71: {  	s7 =	sadd.s32 $0xFFFFFF00, s0;
	_ =	swait.ge [sflag:s21], $0x80;
	(pc) =	sbr.rel @p0 .LBB2_2-.Ltmp0, $4  }
0x72: {  	s10 =	sand.u32 $0x3C00, s7;
	[sflag:s21] =	ssyncset.done $0x0  }
0x73: {  	s7 =	sand.u32 $0x300, s7;
	s10 =	sadd.s32 s8, s10;
	[sflag:s21] =	ssyncadd.s32 $0xFFFFFF80  }
0x74: {  	[tilespmem:s20], [sflag:$0x1] =	stream.indirect.gather [hbm4b:s6+s22], $0x80, s5, s22, $0xb8;
	[tilespmem:$0x1C200] =	vst v63  }
0x75: {  	s7 =	sor.u32 s10, s7;
	_ =	swait.ge [sflag:s29], $0x4000  }
0x76: {  	[sflag:s29] =	ssyncset.done $0x0  }
0x77: {  	[sflag:s29] =	ssyncadd.s32 $0xFFFFC000  }
0x78: {  	[spmem:s3] =	stream.indirect.scatter.add.f32 [tilespmem:s25], [sflag:$0x4], $0x80, s24, s22, $0xb8;
	[tilespmem:$0x1C200] =	vst v63  }
0x79: {  	s4 =	sor.u32 $0x80, s7;
	_ =	swait.ge [sflag:s30], $0x4000  }
0x7a: {  	s4 =	sshrl.u32 s4, $0x3;
	[sflag:s30] =	ssyncset.done $0x0  }
0x7b: {  	s11 =	sadd.s32 s1, s4;
	[sflag:s30] =	ssyncadd.s32 $0xFFFFC000  }
0x7c: {  	[tilespmem:s23], [sflag:$0x5] =	stream.linear.gather [hbm4b:s11+s5], $0x80, $0x38;
	[tilespmem:$0x1C200] =	vst v63  }
0x7d: {  	_ =	swait.ge [sflag:s21], $0x80  }
0x7e: {  	[sflag:s21] =	ssyncset.done $0x0  }
0x7f: {  	s4 =	sadd.s32 s2, s4;
	[sflag:s21] =	ssyncadd.s32 $0xFFFFFF80  }
0x80: {  	[tilespmem:s24], [sflag:$0x5] =	stream.linear.gather [hbm4b:s4+s5], $0x80, $0x38;
	[tilespmem:$0x1C200] =	vst v63  }
0x81: {  	_ =	swait.ge [sflag:s21], $0x80  }
0x82: {  	[sflag:s21] =	ssyncset.done $0x0  }
0x83: {  	[sflag:s21] =	ssyncadd.s32 $0xFFFFFF80  }
0x84: {  	[tilespmem:s25], [sflag:$0x2] =	stream.indirect.gather [hbm4b:s6+s22], $0x80, s23, s22, $0xb8;
	[tilespmem:$0x1C200] =	vst v63  }
0x85: {  	_ =	swait.ge [sflag:s26], $0x4000  }
0x86: {  	s10 =	sand.u32 $0x7C00, s0;
	[sflag:s26] =	ssyncset.done $0x0  }
0x87: {  	s11 =	sand.u32 $0x300, s0;
	s4 =	sadd.s32 s8, s10;
	[sflag:s26] =	ssyncadd.s32 $0xFFFFC000  }
0x88: {  	[spmem:s3] =	stream.indirect.scatter.add.f32 [tilespmem:s20], [sflag:$0x3], $0x80, s22, s22, $0xb8;
	[tilespmem:$0x1C200] =	vst v63  }
0x89: {  	s0 =	sor.u32 s11, s4;
	_ =	swait.ge [sflag:s28], $0x4000  }
0x8a: {  	s0 =	sshrl.u32 s0, $0x3;
	[sflag:s28] =	ssyncset.done $0x0  }
0x8b: {  	s7 =	sadd.s32 s1, s0;
	[sflag:s28] =	ssyncadd.s32 $0xFFFFC000  }
0x8c: {  	[tilespmem:s5], [sflag:$0x5] =	stream.linear.gather [hbm4b:s7+s5], $0x80, $0x38;
	[tilespmem:$0x1C200] =	vst v63  }
0x8d: {  	_ =	swait.ge [sflag:s21], $0x80  }
0x8e: {  	[sflag:s21] =	ssyncset.done $0x0  }
0x8f: {  	s0 =	sadd.s32 s2, s0;
	[sflag:s21] =	ssyncadd.s32 $0xFFFFFF80  }
0x90: {  	[tilespmem:s22], [sflag:$0x5] =	stream.linear.gather [hbm4b:s0+s5], $0x80, $0x38;
	[tilespmem:$0x1C200] =	vst v63  }
0x91: {  	_ =	swait.ge [sflag:s21], $0x80  }
0x92: {  	[sflag:s21] =	ssyncset.done $0x0  }
0x93: {  	[sflag:s21] =	ssyncadd.s32 $0xFFFFFF80  }
0x94: {  	[tilespmem:s20], [sflag:$0x1] =	stream.indirect.gather [hbm4b:s6+s22], $0x80, s5, s22, $0xb8;
	[tilespmem:$0x1C200] =	vst v63  }
0x95: {  	_ =	swait.ge [sflag:s29], $0x4000  }
0x96: {  	[sflag:s29] =	ssyncset.done $0x0  }
0x97: {  	[sflag:s29] =	ssyncadd.s32 $0xFFFFC000  }
0x98: {  	[spmem:s3] =	stream.indirect.scatter.add.f32 [tilespmem:s25], [sflag:$0x4], $0x80, s24, s22, $0xb8;
	[tilespmem:$0x1C200] =	vst v63  }
0x99: {  	_ =	swait.ge [sflag:s30], $0x4000  }
0x9a: {  	[sflag:s30] =	ssyncset.done $0x0  }
0x9b: {  	[sflag:s30] =	ssyncadd.s32 $0xFFFFC000  }
0x9c: {  	[tilespmem:s23], [sflag:$0x5] =	stream.linear.gather [hbm4b:s14+s5], $0x80, $0x38;
	[tilespmem:$0x1C200] =	vst v63  }
0x9d: {  	_ =	swait.ge [sflag:s21], $0x80  }
0x9e: {  	[sflag:s21] =	ssyncset.done $0x0  }
0x9f: {  	[sflag:s21] =	ssyncadd.s32 $0xFFFFFF80  }
0xa0: {  	[tilespmem:s24], [sflag:$0x5] =	stream.linear.gather [hbm4b:s19+s5], $0x80, $0x38;
	[tilespmem:$0x1C200] =	vst v63  }
0xa1: {  	_ =	swait.ge [sflag:s21], $0x80  }
0xa2: {  	[sflag:s21] =	ssyncset.done $0x0  }
0xa3: {  	[sflag:s21] =	ssyncadd.s32 $0xFFFFFF80  }
0xa4: {  	[tilespmem:s25], [sflag:$0x2] =	stream.indirect.gather [hbm4b:s6+s22], $0x80, s23, s22, $0xb8;
	[tilespmem:$0x1C200] =	vst v63  }
0xa5: {  	_ =	swait.ge [sflag:s26], $0x4000  }
0xa6: {  	[sflag:s26] =	ssyncset.done $0x0  }
0xa7: {  	[sflag:s26] =	ssyncadd.s32 $0xFFFFC000  }
0xa8: {  	[spmem:s3] =	stream.indirect.scatter.add.f32 [tilespmem:s20], [sflag:$0x3], $0x80, s22, s22, $0xb8;
	[tilespmem:$0x1C200] =	vst v63  }
0xa9: {  	_ =	swait.ge [sflag:s28], $0x4000  }
0xaa: {  	[sflag:s28] =	ssyncset.done $0x0  }
0xab: {  	[sflag:s28] =	ssyncadd.s32 $0xFFFFC000  }
0xac: {  	_ =	swait.ge [sflag:s29], $0x4000  }
0xad: {  	[sflag:s29] =	ssyncset.done $0x0  }
0xae: {  	[sflag:s29] =	ssyncadd.s32 $0xFFFFC000  }
0xaf: {  	[spmem:s3] =	stream.indirect.scatter.add.f32 [tilespmem:s25], [sflag:$0x4], $0x80, s24, s22, $0xb8;
	[tilespmem:$0x1C200] =	vst v63  }
0xb0: {  	s31 =	sadd.s32 $0x1, s31;
	_ =	swait.ge [sflag:s30], $0x4000  }
0xb1: {  	p0 =	sne.s32 s31, s13;
	s10 =	stileid.u32;
	[sflag:s30] =	ssyncset.done $0x0  }
0xb2: {  	s11 =	sshrl.u32 s9, $0x3;
	s0 =	sshll.u32 s10, $0x6;
	[sflag:s30] =	ssyncadd.s32 $0xFFFFC000  }
.Ltmp1:
0xb3: {  	s0 =	sor.u32 $0x1C05, s0;
	[bflag:$0x0] =	sbarrier.arrive $0xFFFF;
	(pc) =	sbr.rel @p0 .LBB2_1-.Ltmp1, $4  }
0xb4: {  	[hbm:s12], [sflag:s0] =	dma.local [spmem:s11], $0x2800  }
0xb5: {  	_ =	swait.ge [sflag:s21], $0x2800  }
0xb6: {  	[sflag:s21] =	ssyncset.done $0x0  }
0xb7: {  	[sflag:s21] =	ssyncadd.s32 $0xFFFFD800  }
0xb8: {  	_ =	sfence.sel $0x180000  }
0xb9: {  	[bflag:$0x0] =	sbarrier.arrive $0xFFFF  }
0xba: {  	_ =	strace $0x9000004A  }
0xbb: {  	s0 =	stileid.u32;
	[bflag:$0x2] =	sbarrier.arrive $0xFFFF  }
0xbc: {  	p0 =	sne.s32 s0, $0x0;
	s0 =	rddreg [dreg:$0x4]  }
0xbd: {  	s0 =	sadd.s32 @!p0 $0x100000, s0  }
0xbe: {  	[sflag:s0] =	ssyncadd.tile.s32 @!p0 $0x1;
	_ =	shalt  }
.Lfunc_end2:
_tile_overlayer_lowered:
.L_overlay_start_2:
0xbf: {  	(tag) =	ssettag $0x2  }
0xc0: {  	s0 =	rddreg [dreg:$0x0];
	s2 =	stileid.u32  }
0xc1: {  	s1 =	rddreg [dreg:$0x1];
	p0 =	sne.s32 s2, $0x0  }
0xc2: {  	s3 =	rddreg [dreg:$0x2];
	[bflag:$0x3] =	sbarrier.arrive $0xFFFF;
	s2 =	simm.s32 @!p0 $0x1C05  }
0xc3: {  	[timem:s3], [sflag:s2] =	dma.local @!p0 [hbm:s0], s1  }
0xc4: {  	s0 =	simm.s32 @!p0 $0x5  }
0xc5: {  	_ =	swait.ge @!p0 [sflag:s0], s1  }
0xc6: {  	s1 =	ssub.s32 @!p0 $0x0, s1;
	[sflag:s0] =	ssyncset.done @!p0 $0x0  }
0xc7: {  	[sflag:s0] =	ssyncadd.s32 @!p0 s1  }
0xc8: {  	[bflag:$0x3] =	sbarrier.arrive $0xFFFF  }
0xc9: {  	_ =	shalt  }

// kernel: kernel.14.cloned.1.call-start
scs
__scs_entry_jumppad:
0x0: {  	(pc) =	sbr.rel $0x88, $3  }
0x1: {  	(tag) =	ssettag $0x0;
	lr =	simm.s32 $0x1  }
0x2: {  	[smem:$0x3F9B] =	sst lr;
	_ =	strace $0xD0000000  }
0x3: {  	_ = 	snop  }
0x4: {  	_ = 	snop  }
0x5: {  	_ = 	snop  }
0x6: {  	_ = 	snop  }
0x7: {  	_ = 	snop  }
__scs_overlays_trampoline_lowered:
0x8: {  	[smem:$0x3FAA] =	sst s0  }
0x9: {  	[smem:$0x3FAB] =	sst s1  }
0xa: {  	[smem:$0x3FAC] =	sst s2  }
0xb: {  	[smem:$0x3FAD] =	sst s3  }
0xc: {  	[smem:$0x3FAE] =	sst s4  }
0xd: {  	[smem:$0x3FAF] =	sst s5  }
0xe: {  	[smem:$0x3FB0] =	sst s6  }
0xf: {  	[smem:$0x3FB1] =	sst s7  }
0x10: {  	[smem:$0x3FB2] =	sst s8  }
0x11: {  	[smem:$0x3FB3] =	sst s9;
	s0 =	simm.s32 @!p0 $0x0  }
0x12: {  	s1 =	sld [smem:$0x3F99];
	s0 =	simm.s32 @p0 $0x1  }
0x13: {  	[smem:$0x3FB4] =	sst s0;
	s0 =	simm.s32 @!p1 $0x0  }
0x14: {  	s2 =	sld [smem:$0x3F98];
	s0 =	simm.s32 @p1 $0x1  }
0x15: {  	[smem:$0x3FB5] =	sst s0;
	s0 =	simm.s32 @!p2 $0x0  }
0x16: {  	s3 =	sld [smem:$0x3FDB];
	s0 =	simm.s32 @p2 $0x1  }
0x17: {  	s4 =	simm.s32 $0x1BF5;
	[smem:$0x3FB7] =	sst s0  }
0x18: {  	s0 =	sld [smem:$0x3F9A];
	_ =	swait.ge [sflag:s4], $0x0  }
0x19: {  	s7 =	sld [smem:$0x3F9B]  }
0x1a: {  	s8 =	sadd.s32 $0xFFFFE003, lr  }
0x1b: {  	s9 =	sadd.s32 $0xFFFFFEF7, lr;
	s5 =	simm.s32 $0xFFFFFFFF;
	p2 =	slt.u32 s8, $0xFFFFF086  }
0x1c: {  	p1 =	slt.u32 s9, $0xF7A;
	s5 =	simm.s32 @!p2 $0x0  }
0x1d: {  	s5 =	simm.s32 @p1 $0x1;
	p0 =	seq.s32 s7, s2  }
0x1e: {  	s7 =	smul.u32 @!p0 $0xF7A, s2;
	p2 =	seq.s32 @!p0 s5, $0x0  }
0x1f: {  	s9 =	smul.u32 $0xF7A, s1;
	s8 =	simm.s32 @!p0 $0x1BF5;
	p2 =	por !p2, p0  }
0x20: {  	[sflag:s8] =	ssyncset.s32 @!p0 $0xFFFFF086;
	s6 =	sadd.s32 @!p0 s3, s7;
	s7 =	simm.s32 @!p0 $0x108  }
0x21: {  	s3 =	sadd.s32 s3, s9;
	s6 =	sadd.s32 @!p0 $0x88, s6;
	s7 =	simm.s32 @p2 $0x1082  }
0x22: {  	[simem:s7], [sflag:s8] =	dma.local @!p0 [hbm:s6], $0xF7A  }
0x23: {  	s9 =	sor.u32 $0xD0000000, s2;
	s6 =	simm.s32 $0x108;
	_ =	swait.ge @!p0 [sflag:s8], $0x0  }
0x24: {  	s3 =	sadd.s32 $0x88, s3;
	s6 =	simm.s32 @!p1 $0x1082;
	[sflag:s4] =	ssyncset.s32 $0xFFFFF086  }
0x25: {  	[simem:s6], [sflag:s4] =	dma.local [hbm:s3], $0xF7A  }
0x26: {  	[smem:$0x3F9B] =	sst s1;
	(tag) =	ssettag s2;
	_ =	strace s9  }
0x27: {  	s1 =	sld [smem:$0x3FAB]  }
0x28: {  	s2 =	sld [smem:$0x3FAC]  }
0x29: {  	s4 =	sld [smem:$0x3FAE]  }
0x2a: {  	p0 =	seq.s32 s5, $0x0;
	s5 =	sld [smem:$0x3FAF]  }
0x2b: {  	s6 =	sld [smem:$0x3FB0]  }
0x2c: {  	s7 =	sld [smem:$0x3FB1]  }
0x2d: {  	s3 =	simm.s32 $0x108;
	s8 =	sld [smem:$0x3FB2]  }
0x2e: {  	s3 =	simm.s32 @!p0 $0x1082;
	s9 =	sld [smem:$0x3FB3]  }
0x2f: {  	lr =	sadd.s32 s0, s3;
	s0 =	sld [smem:$0x3FAA]  }
0x30: {  	s3 =	sld [smem:$0x3FAD]  }
0x31: {  	[smem:$0x3FB6] =	sst s10  }
0x32: {  	s10 =	sld [smem:$0x3FB4];
	_ =	sdelay $0x3  }
0x33: {  	p0 =	seq.s32 s10, $0x1;
	s10 =	sld [smem:$0x3FB6];
	_ =	sdelay $0x3  }
0x34: {  	[smem:$0x3FB6] =	sst s10  }
0x35: {  	s10 =	sld [smem:$0x3FB5];
	_ =	sdelay $0x3  }
0x36: {  	p1 =	seq.s32 s10, $0x1;
	s10 =	sld [smem:$0x3FB6];
	_ =	sdelay $0x3  }
0x37: {  	[smem:$0x3FB6] =	sst s10  }
0x38: {  	s10 =	sld [smem:$0x3FB7]  }
0x39: {  	_ = 	snop;
	(pc) =	sbr.ind lr, $3  }
0x3a: {  	_ = 	snop  }
0x3b: {  	_ = 	snop  }
0x3c: {  	p2 =	seq.s32 s10, $0x1;
	s10 =	sld [smem:$0x3FB6]  }
0x3d: {  	_ =	shalt  }
0x3e: {  	_ =	shalt  }
0x3f: {  	_ =	shalt  }
0x40: {  	_ =	shalt  }
0x41: {  	_ =	shalt  }
0x42: {  	_ =	shalt  }
0x43: {  	_ =	shalt  }
0x44: {  	_ =	shalt  }
0x45: {  	_ =	shalt  }
0x46: {  	_ =	shalt  }
0x47: {  	_ =	shalt  }
0x48: {  	_ =	shalt  }
0x49: {  	_ =	shalt  }
0x4a: {  	_ =	shalt  }
0x4b: {  	_ =	shalt  }
0x4c: {  	_ =	shalt  }
0x4d: {  	_ =	shalt  }
0x4e: {  	_ =	shalt  }
0x4f: {  	_ =	shalt  }
0x50: {  	_ =	shalt  }
0x51: {  	_ =	shalt  }
0x52: {  	_ =	shalt  }
0x53: {  	_ =	shalt  }
0x54: {  	_ =	shalt  }
0x55: {  	_ =	shalt  }
0x56: {  	_ =	shalt  }
0x57: {  	_ =	shalt  }
0x58: {  	_ =	shalt  }
0x59: {  	_ =	shalt  }
0x5a: {  	_ =	shalt  }
0x5b: {  	_ =	shalt  }
0x5c: {  	_ =	shalt  }
0x5d: {  	_ =	shalt  }
0x5e: {  	_ =	shalt  }
0x5f: {  	_ =	shalt  }
0x60: {  	_ =	shalt  }
0x61: {  	_ =	shalt  }
0x62: {  	_ =	shalt  }
0x63: {  	_ =	shalt  }
0x64: {  	_ =	shalt  }
0x65: {  	_ =	shalt  }
0x66: {  	_ =	shalt  }
0x67: {  	_ =	shalt  }
0x68: {  	_ =	shalt  }
0x69: {  	_ =	shalt  }
0x6a: {  	_ =	shalt  }
0x6b: {  	_ =	shalt  }
0x6c: {  	_ =	shalt  }
0x6d: {  	_ =	shalt  }
0x6e: {  	_ =	shalt  }
0x6f: {  	_ =	shalt  }
0x70: {  	_ =	shalt  }
0x71: {  	_ =	shalt  }
0x72: {  	_ =	shalt  }
0x73: {  	_ =	shalt  }
0x74: {  	_ =	shalt  }
0x75: {  	_ =	shalt  }
0x76: {  	_ =	shalt  }
0x77: {  	_ =	shalt  }
0x78: {  	_ =	shalt  }
0x79: {  	_ =	shalt  }
0x7a: {  	_ =	shalt  }
0x7b: {  	_ =	shalt  }
0x7c: {  	_ =	shalt  }
0x7d: {  	_ =	shalt  }
0x7e: {  	_ =	shalt  }
0x7f: {  	_ =	shalt  }
0x80: {  	_ =	shalt  }
0x81: {  	_ =	shalt  }
0x82: {  	_ =	shalt  }
0x83: {  	_ =	shalt  }
0x84: {  	_ =	shalt  }
0x85: {  	_ =	shalt  }
0x86: {  	_ =	shalt  }
0x87: {  	_ =	shalt  }
.Lfunc_end0:
.L_simem_size_0:
called_computation.2_lowered:
.L_overlay_start_0:
0x88: {  	s2 =	sld [smem:$0x3FD9]  }
0x89: {  	s3 =	sld [smem:$0x3FFE];
	_ =	sdelay $0x1  }
0x8a: {  	s1 =	srdreg.scid  }
0x8b: {  	s0 =	sand.u32 $0x1, s1  }
0x8c: {  	s14 =	sshll.u32 s0, $0xA;
	s2 =	sadd.s32 s3, s2  }
0x8d: {  	s2 =	sadd.s32 s2, s14  }
0x8e: {  	[smem:$0x3FC2] =	sst s2  }
0x8f: {  	_ = 	snop  }
0x90: {  	s2 =	sld [smem:$0x3FD0];
	_ =	sdelay $0x2  }
0x91: {  	s15 =	simm.s32 $0xA;
	s4 =	simm.s32 $0x10  }
0x92: {  	[smem:s4], [sflag:s15] =	dma.local [hbm:s2], $0x1  }
0x93: {  	_ =	swait.eq [sflag:s15], $0x1  }
0x94: {  	[sflag:s15] =	ssyncset.done $0x0  }
0x95: {  	s16 =	sld [smem:$0x10];
	[sflag:s15] =	ssyncadd.s32 $0xFFFFFFFF  }
0x96: {  	s17 =	sld [smem:$0x11];
	(tm) =	ssettm $0x1  }
0x97: {  	s18 =	sld [smem:$0x3FFB];
	_ =	sdelay $0x3  }
0x98: {  	_ =	strace s18  }
0x99: {  	s4 =	sld [smem:$0x3FFC];
	_ =	sdelay $0x3  }
0x9a: {  	_ =	strace s4  }
0x9b: {  	s4 =	sld [smem:$0x3FFD];
	_ =	sdelay $0x3  }
0x9c: {  	_ =	strace s4  }
0x9d: {  	_ =	strace $0x8FFFFFFF  }
0x9e: {  	s19 =	sld [smem:$0x3FDB];
	_ =	sdelay $0x1  }
0x9f: {  	s5 =	simm.s32 $_scs_section_size  }
0xa0: {  	s6 =	simm.s32 $_size__tile_overlayer_lowered;
	s7 =	simm.s32 $_tile_overlayer_lowered  }
0xa1: {  	s22 =	simm.s32 $0x1BFF;
	s21 =	sshll.u32 s7, $0x1;
	s4 =	sadd.s32 s5, s19  }
0xa2: {  	s8 =	simm.s32 $0x0;
	s20 =	sshll.u32 s6, $0x1;
	s6 =	sadd.s32 s21, s4  }
0xa3: {  	[timem:s8], [sflag:s22] =	dma.local [hbm:s6], s20  }
0xa4: {  	_ =	swait.ge [sflag:s22], s20  }
0xa5: {  	s5 =	ssub.s32 $0x0, s20;
	[sflag:s22] =	ssyncset.done $0x0  }
0xa6: {  	[sflag:s22] =	ssyncadd.s32 s5;
	_ =	sdelay $0x1  }
0xa7: {  	s23 =	simm.s32 $0x1B8B  }
0xa8: {  	_ =	swait.ge [sflag:s23], $0x1  }
0xa9: {  	[sflag:s23] =	ssyncset.done $0x0  }
0xaa: {  	s25 =	simm.s32 $0x1B8E;
	s24 =	sld [smem:$0x3FFE];
	[sflag:s23] =	ssyncadd.s32 $0xFFFFFFFF  }
0xab: {  	s26 =	simm.s32 $execute0_lowered;
	[smem:$0x3FD2] =	sst s25  }
0xac: {  	s6 =	sshll.u32 s26, $0x1;
	_ =	strace $0x8000004C;
	[dreg:$0x1] =	wrdreg $0xFFFFFFFF  }
0xad: {  	s28 =	simm.s32 $_size_execute0_lowered;
	s4 =	sadd.s32 s4, s6;
	[dreg:$0x0] =	wrdreg $0x0  }
0xae: {  	s6 =	sshll.u32 s28, $0x1;
	[dreg:$0x2] =	wrdreg s4  }
0xaf: {  	[dreg:$0x3] =	wrdreg s6  }
0xb0: {  	[dreg:$0x4] =	wrdreg $0xC0  }
0xb1: {  	_ =	task [dreg:s8], $0x5FFFF  }
0xb2: {  	[dreg:$0x1] =	wrdreg $0xFFFFFFFF  }
0xb3: {  	[dreg:$0x0] =	wrdreg $0x60  }
0xb4: {  	[dreg:$0x2] =	wrdreg s24  }
0xb5: {  	[dreg:$0x3] =	wrdreg s16  }
0xb6: {  	[dreg:$0x4] =	wrdreg s17  }
0xb7: {  	[dreg:$0x5] =	wrdreg $0x82000  }
0xb8: {  	[dreg:$0x6] =	wrdreg $0x9  }
0xb9: {  	_ =	task.clear_ibuf [dreg:s8], $0x7FFFF;
	_ =	strace $0x9000004C  }
0xba: {  	s29 =	simm.s32 $0x9;
	_ =	strace $0x8000004E  }
0xbb: {  	_ =	swait.ge [sflag:s29], $0x1  }
0xbc: {  	[sflag:s29] =	ssyncadd.s32 $0xFFFFFFFF  }
0xbd: {  	_ =	strace $0x9000004E  }
0xbe: {  	_ =	sfence  }
0xbf: {  	s30 =	sld [smem:$0x0];
	_ =	sdelay $0x2  }
0xc0: {  	s31 =	sshll.u32 s1, $0xD;
	s1 =	sshrl.u32 s1, $0x2  }
0xc1: {  	s3 =	sand.u32 $0x4000, s31;
	s1 =	sadd.s32 s1, s30  }
0xc2: {  	s0 =	sor.u32 s3, s0;
	s1 =	sshll.u32 s1, $0x11  }
0xc3: {  	s0 =	sor.u32 s1, s0  }
0xc4: {  	s0 =	sadd.s32 $0x8F2B, s0  }
0xc5: {  	[sflag:s0] =	ssyncadd.remote.s32 $0x1  }
0xc6: {  	_ =	sfence.sel $0xFFFF  }
0xc7: {  	[dreg:$0x0] =	wrdreg $0xFFFFFFFF;
	(pc) =	sbr.abs _section_cstart, $3  }
0xc8: {  	[dreg:$0x1] =	wrdreg $0xFFFFFFFF  }
0xc9: {  	_ =	task.clear_ibuf [dreg:s8], $0x2FFFF;
	_ =	strace $0x9FFFFFFF  }
0xca: {  	(tm) =	ssettm $0x7FFFFFFF  }
0xcb: {  	_ =	shalt  }
tec
execute0_lowered:
.L_overlay_start_1:
0x0: {  	(tag) =	ssettag $0x1  }
0x1: {  	s0 =	rddreg [dreg:$0x0]  }
0x2: {  	s1 =	rddreg [dreg:$0x1]  }
0x3: {  	s2 =	rddreg [dreg:$0x2]  }
0x4: {  	s3 =	rddreg [dreg:$0x3]  }
0x5: {  	s4 =	srdreg.scid;
	s5 =	simm.s32 $0x0;
	s10 =	stileid.u32  }
0x6: {  	s20 =	simm.s32 $0x200;
	s28 =	simm.s32 $0x3;
	s8 =	smul.u32 $0x14000, s10  }
0x7: {  	s29 =	simm.s32 $0x2;
	s30 =	simm.s32 $0x4;
	s21 =	smul.u32 $0x2800, s10  }
0x8: {  	s31 =	simm.s32 $0x0;
	s4 =	sand.u32 $0x1, s4;
	s10 =	smul.u32 $0x50000, s10  }
0x9: {  	[smem:$0x7FF] =	sst s5;
	s6 =	sadd.s32 $0x3000, s0;
	s7 =	smul.u32 $0x140000, s4  }
0xa: {  	s11 =	sadd.s32 $0x2800, s0;
	s9 =	smul.u32 $0x28000, s4;
	s4 =	ssub.s32 $0x2, s4  }
0xb: {  	_ =	strace $0x8000004D;
	[dreg:$0x5] =	wrdreg s11;
	s22 =	sshrl.u32 s4, $0x1  }
0xc: {  	s23 =	sshrl.u32 s10, $0x2;
	s7 =	sadd.s32 s8, s7;
	s8 =	sadd.s32 s21, s9  }
0xd: {  	s4 =	ssub.s32 s4, s22;
	s9 =	sadd.s32 s23, s3;
	s21 =	simm.s32 $0x5  }
0xe: {  	s22 =	simm.s32 $0x80;
	s23 =	simm.s32 $0x100;
	s7 =	sshrl.u32 s7, $0x3  }
0xf: {  	s13 =	sshrl.u32 s8, $0x3;
	s15 =	sadd.s32 $0x4000, s9;
	s16 =	sadd.s32 $0x8000, s9  }
0x10: {  	s17 =	sadd.s32 $0xC000, s9;
	s18 =	sadd.s32 $0x10000, s9;
	s24 =	sadd.s32 s1, s13  }
0x11: {  	s0 =	sadd.s32 s7, s0;
	s25 =	sadd.s32 s2, s13;
	[dreg:$0x6] =	wrdreg s24  }
0x12: {  	s26 =	sadd.s32 $0x4F0, s13;
	s13 =	smax.u32 s4, $0x1;
	[dreg:$0x7] =	wrdreg s25  }
0x13: {  	s12 =	sadd.s32 $0x2B000, s0;
	s14 =	sadd.s32 s1, s26;
	s19 =	sadd.s32 s2, s26  }
0x14: {  	s24 =	simm.s32 $0x180;
	s25 =	simm.s32 $0x4200;
	s26 =	simm.s32 $0x1  }
.LBB2_1:
0x15: {  	s0 =	rddreg [dreg:$0x5]  }
0x16: {  	[tilespmem:s20], [sflag:$0x5] =	stream.linear.gather [hbm4b:s0+s5], $0x4000, $0x38;
	[tilespmem:$0x1C200] =	vst v63  }
0x17: {  	_ =	swait.ge [sflag:s21], $0x4000  }
0x18: {  	[sflag:s21] =	ssyncset.done $0x0  }
0x19: {  	[sflag:s21] =	ssyncadd.s32 $0xFFFFC000  }
0x1a: {  	[spmem:s9] =	stream.linear.scatter [tilespmem:s20], [sflag:$0x5], $0x4000, $0x38;
	[tilespmem:$0x1C200] =	vst v63  }
0x1b: {  	_ =	swait.ge [sflag:s21], $0x4000  }
0x1c: {  	[sflag:s21] =	ssyncset.done $0x0  }
0x1d: {  	[sflag:s21] =	ssyncadd.s32 $0xFFFFC000  }
0x1e: {  	[spmem:s15] =	stream.linear.scatter [tilespmem:s20], [sflag:$0x5], $0x4000, $0x38;
	[tilespmem:$0x1C200] =	vst v63  }
0x1f: {  	_ =	swait.ge [sflag:s21], $0x4000  }
0x20: {  	[sflag:s21] =	ssyncset.done $0x0  }
0x21: {  	[sflag:s21] =	ssyncadd.s32 $0xFFFFC000  }
0x22: {  	[spmem:s16] =	stream.linear.scatter [tilespmem:s20], [sflag:$0x5], $0x4000, $0x38;
	[tilespmem:$0x1C200] =	vst v63  }
0x23: {  	_ =	swait.ge [sflag:s21], $0x4000  }
0x24: {  	[sflag:s21] =	ssyncset.done $0x0  }
0x25: {  	[sflag:s21] =	ssyncadd.s32 $0xFFFFC000  }
0x26: {  	[spmem:s17] =	stream.linear.scatter [tilespmem:s20], [sflag:$0x5], $0x4000, $0x38;
	[tilespmem:$0x1C200] =	vst v63  }
0x27: {  	_ =	swait.ge [sflag:s21], $0x4000  }
0x28: {  	[sflag:s21] =	ssyncset.done $0x0  }
0x29: {  	[sflag:s21] =	ssyncadd.s32 $0xFFFFC000  }
0x2a: {  	[spmem:s18] =	stream.linear.scatter [tilespmem:s20], [sflag:$0x5], $0x4000, $0x38;
	[tilespmem:$0x1C200] =	vst v63  }
0x2b: {  	_ =	swait.ge [sflag:s21], $0x4000  }
0x2c: {  	[sflag:s21] =	ssyncset.done $0x0  }
0x2d: {  	[sflag:s21] =	ssyncadd.s32 $0xFFFFC000  }
0x2e: {  	[bflag:$0x0] =	sbarrier.arrive $0xFFFF  }
0x2f: {  	s4 =	rddreg [dreg:$0x6]  }
0x30: {  	[tilespmem:s5], [sflag:$0x5] =	stream.linear.gather [hbm4b:s4+s5], $0x80, $0x38;
	[tilespmem:$0x1C200] =	vst v63  }
0x31: {  	s10 =	simm.s32 $0x0;
	_ =	swait.ge [sflag:s21], $0x80  }
0x32: {  	s0 =	sand.u32 $0x300, s10;
	s4 =	sand.u32 $0x3C00, s10;
	[sflag:s21] =	ssyncset.done $0x0  }
0x33: {  	s4 =	sadd.s32 s8, s4;
	s7 =	rddreg [dreg:$0x7];
	[sflag:s21] =	ssyncadd.s32 $0xFFFFFF80  }
0x34: {  	[tilespmem:s22], [sflag:$0x5] =	stream.linear.gather [hbm4b:s7+s5], $0x80, $0x38;
	[tilespmem:$0x1C200] =	vst v63  }
0x35: {  	s0 =	sor.u32 s4, s0;
	_ =	swait.ge [sflag:s21], $0x80  }
0x36: {  	s0 =	sor.u32 $0x80, s0;
	[sflag:s21] =	ssyncset.done $0x0  }
0x37: {  	s0 =	sshrl.u32 s0, $0x3;
	[sflag:s21] =	ssyncadd.s32 $0xFFFFFF80  }
0x38: {  	[tilespmem:s20], [sflag:$0x1] =	stream.indirect.gather [hbm4b:s6+s22], $0x80, s5, s22, $0xb8;
	[tilespmem:$0x1C200] =	vst v63  }
0x39: {  	s11 =	sadd.s32 s1, s0  }
0x3a: {  	[tilespmem:s23], [sflag:$0x5] =	stream.linear.gather [hbm4b:s11+s5], $0x80, $0x38;
	[tilespmem:$0x1C200] =	vst v63  }
0x3b: {  	_ =	swait.ge [sflag:s21], $0x80  }
0x3c: {  	[sflag:s21] =	ssyncset.done $0x0  }
0x3d: {  	s0 =	sadd.s32 s2, s0;
	[sflag:s21] =	ssyncadd.s32 $0xFFFFFF80  }
0x3e: {  	[tilespmem:s24], [sflag:$0x5] =	stream.linear.gather [hbm4b:s0+s5], $0x80, $0x38;
	[tilespmem:$0x1C200] =	vst v63  }
0x3f: {  	_ =	swait.ge [sflag:s21], $0x80  }
0x40: {  	[sflag:s21] =	ssyncset.done $0x0  }
0x41: {  	[sflag:s21] =	ssyncadd.s32 $0xFFFFFF80  }
0x42: {  	[tilespmem:s25], [sflag:$0x2] =	stream.indirect.gather [hbm4b:s6+s22], $0x80, s23, s22, $0xb8;
	[tilespmem:$0x1C200] =	vst v63  }
0x43: {  	_ =	swait.ge [sflag:s26], $0x4000  }
0x44: {  	s4 =	sand.u32 $0x7C00, s23;
	[sflag:s26] =	ssyncset.done $0x0  }
0x45: {  	s7 =	sand.u32 $0x300, s23;
	s0 =	sadd.s32 s8, s4;
	[sflag:s26] =	ssyncadd.s32 $0xFFFFC000  }
0x46: {  	[spmem:s3] =	stream.indirect.scatter.add.f32 [tilespmem:s20], [sflag:$0x3], $0x80, s22, s22, $0xb8;
	[tilespmem:$0x1C200] =	vst v63  }
0x47: {  	s0 =	sor.u32 s7, s0;
	_ =	swait.ge [sflag:s28], $0x4000  }
0x48: {  	s0 =	sshrl.u32 s0, $0x3;
	[sflag:s28] =	ssyncset.done $0x0  }
0x49: {  	s10 =	sadd.s32 s1, s0;
	[sflag:s28] =	ssyncadd.s32 $0xFFFFC000  }
0x4a: {  	[tilespmem:s5], [sflag:$0x5] =	stream.linear.gather [hbm4b:s10+s5], $0x80, $0x38;
	[tilespmem:$0x1C200] =	vst v63  }
0x4b: {  	_ =	swait.ge [sflag:s21], $0x80  }
0x4c: {  	[sflag:s21] =	ssyncset.done $0x0  }
0x4d: {  	s11 =	simm.s32 $0x100;
	s0 =	sadd.s32 s2, s0;
	[sflag:s21] =	ssyncadd.s32 $0xFFFFFF80  }
0x4e: {  	[tilespmem:s22], [sflag:$0x5] =	stream.linear.gather [hbm4b:s0+s5], $0x80, $0x38;
	[tilespmem:$0x1C200] =	vst v63  }
0x4f: {  	s7 =	sand.u32 $0x3C00, s11;
	_ =	swait.ge [sflag:s21], $0x80  }
0x50: {  	s4 =	sand.u32 $0x300, s11;
	s7 =	sadd.s32 s8, s7;
	[sflag:s21] =	ssyncset.done $0x0  }
0x51: {  	s7 =	sor.u32 s7, s4;
	[sflag:s21] =	ssyncadd.s32 $0xFFFFFF80  }
0x52: {  	[tilespmem:s20], [sflag:$0x1] =	stream.indirect.gather [hbm4b:s6+s22], $0x80, s5, s22, $0xb8;
	[tilespmem:$0x1C200] =	vst v63  }
0x53: {  	s4 =	simm.s32 $0x300;
	s0 =	simm.s32 $0x200;
	_ =	swait.ge [sflag:s29], $0x4000  }
.LBB2_2:
0x54: {  	p0 =	sne.s32 s4, $0x2700  }
0x55: {  	[sflag:s29] =	ssyncset.done $0x0;
	s10 =	smov.u32 s4;
	s4 =	sadd.s32 $0x100, s4  }
0x56: {  	[sflag:s29] =	ssyncadd.s32 $0xFFFFC000  }
0x57: {  	[spmem:s3] =	stream.indirect.scatter.add.f32 [tilespmem:s25], [sflag:$0x4], $0x80, s24, s22, $0xb8;
	[tilespmem:$0x1C200] =	vst v63  }
0x58: {  	s7 =	sor.u32 $0x80, s7;
	_ =	swait.ge [sflag:s30], $0x4000  }
0x59: {  	s7 =	sshrl.u32 s7, $0x3;
	[sflag:s30] =	ssyncset.done $0x0  }
0x5a: {  	s11 =	sadd.s32 s1, s7;
	[sflag:s30] =	ssyncadd.s32 $0xFFFFC000  }
0x5b: {  	[tilespmem:s23], [sflag:$0x5] =	stream.linear.gather [hbm4b:s11+s5], $0x80, $0x38;
	[tilespmem:$0x1C200] =	vst v63  }
0x5c: {  	_ =	swait.ge [sflag:s21], $0x80  }
0x5d: {  	[sflag:s21] =	ssyncset.done $0x0  }
0x5e: {  	s7 =	sadd.s32 s2, s7;
	[sflag:s21] =	ssyncadd.s32 $0xFFFFFF80  }
0x5f: {  	[tilespmem:s24], [sflag:$0x5] =	stream.linear.gather [hbm4b:s7+s5], $0x80, $0x38;
	[tilespmem:$0x1C200] =	vst v63  }
0x60: {  	_ =	swait.ge [sflag:s21], $0x80  }
0x61: {  	[sflag:s21] =	ssyncset.done $0x0  }
0x62: {  	[sflag:s21] =	ssyncadd.s32 $0xFFFFFF80  }
0x63: {  	[tilespmem:s25], [sflag:$0x2] =	stream.indirect.gather [hbm4b:s6+s22], $0x80, s23, s22, $0xb8;
	[tilespmem:$0x1C200] =	vst v63  }
0x64: {  	_ =	swait.ge [sflag:s26], $0x4000  }
0x65: {  	[sflag:s26] =	ssyncset.done $0x0  }
0x66: {  	s11 =	sand.u32 $0x300, s0;
	s7 =	sand.u32 $0x7C00, s0;
	[sflag:s26] =	ssyncadd.s32 $0xFFFFC000  }
0x67: {  	[spmem:s3] =	stream.indirect.scatter.add.f32 [tilespmem:s20], [sflag:$0x3], $0x80, s22, s22, $0xb8;
	[tilespmem:$0x1C200] =	vst v63  }
0x68: {  	s0 =	smov.u32 s10;
	s7 =	sadd.s32 s8, s7;
	_ =	swait.ge [sflag:s28], $0x4000  }
0x69: {  	s7 =	sor.u32 s11, s7;
	[sflag:s28] =	ssyncset.done $0x0  }
0x6a: {  	s7 =	sshrl.u32 s7, $0x3;
	[sflag:s28] =	ssyncadd.s32 $0xFFFFC000  }
0x6b: {  	s10 =	sadd.s32 s1, s7  }
0x6c: {  	[tilespmem:s5], [sflag:$0x5] =	stream.linear.gather [hbm4b:s10+s5], $0x80, $0x38;
	[tilespmem:$0x1C200] =	vst v63  }
0x6d: {  	_ =	swait.ge [sflag:s21], $0x80  }
0x6e: {  	s7 =	sadd.s32 s2, s7;
	[sflag:s21] =	ssyncset.done $0x0  }
0x6f: {  	[sflag:s21] =	ssyncadd.s32 $0xFFFFFF80  }
0x70: {  	[tilespmem:s22], [sflag:$0x5] =	stream.linear.gather [hbm4b:s7+s5], $0x80, $0x38;
	[tilespmem:$0x1C200] =	vst v63  }
.Ltmp0:
0x71: {  	s7 =	sadd.s32 $0xFFFFFF00, s0;
	_ =	swait.ge [sflag:s21], $0x80;
	(pc) =	sbr.rel @p0 .LBB2_2-.Ltmp0, $4  }
0x72: {  	s10 =	sand.u32 $0x3C00, s7;
	[sflag:s21] =	ssyncset.done $0x0  }
0x73: {  	s7 =	sand.u32 $0x300, s7;
	s10 =	sadd.s32 s8, s10;
	[sflag:s21] =	ssyncadd.s32 $0xFFFFFF80  }
0x74: {  	[tilespmem:s20], [sflag:$0x1] =	stream.indirect.gather [hbm4b:s6+s22], $0x80, s5, s22, $0xb8;
	[tilespmem:$0x1C200] =	vst v63  }
0x75: {  	s7 =	sor.u32 s10, s7;
	_ =	swait.ge [sflag:s29], $0x4000  }
0x76: {  	[sflag:s29] =	ssyncset.done $0x0  }
0x77: {  	[sflag:s29] =	ssyncadd.s32 $0xFFFFC000  }
0x78: {  	[spmem:s3] =	stream.indirect.scatter.add.f32 [tilespmem:s25], [sflag:$0x4], $0x80, s24, s22, $0xb8;
	[tilespmem:$0x1C200] =	vst v63  }
0x79: {  	s4 =	sor.u32 $0x80, s7;
	_ =	swait.ge [sflag:s30], $0x4000  }
0x7a: {  	s4 =	sshrl.u32 s4, $0x3;
	[sflag:s30] =	ssyncset.done $0x0  }
0x7b: {  	s11 =	sadd.s32 s1, s4;
	[sflag:s30] =	ssyncadd.s32 $0xFFFFC000  }
0x7c: {  	[tilespmem:s23], [sflag:$0x5] =	stream.linear.gather [hbm4b:s11+s5], $0x80, $0x38;
	[tilespmem:$0x1C200] =	vst v63  }
0x7d: {  	_ =	swait.ge [sflag:s21], $0x80  }
0x7e: {  	[sflag:s21] =	ssyncset.done $0x0  }
0x7f: {  	s4 =	sadd.s32 s2, s4;
	[sflag:s21] =	ssyncadd.s32 $0xFFFFFF80  }
0x80: {  	[tilespmem:s24], [sflag:$0x5] =	stream.linear.gather [hbm4b:s4+s5], $0x80, $0x38;
	[tilespmem:$0x1C200] =	vst v63  }
0x81: {  	_ =	swait.ge [sflag:s21], $0x80  }
0x82: {  	[sflag:s21] =	ssyncset.done $0x0  }
0x83: {  	[sflag:s21] =	ssyncadd.s32 $0xFFFFFF80  }
0x84: {  	[tilespmem:s25], [sflag:$0x2] =	stream.indirect.gather [hbm4b:s6+s22], $0x80, s23, s22, $0xb8;
	[tilespmem:$0x1C200] =	vst v63  }
0x85: {  	_ =	swait.ge [sflag:s26], $0x4000  }
0x86: {  	s10 =	sand.u32 $0x7C00, s0;
	[sflag:s26] =	ssyncset.done $0x0  }
0x87: {  	s11 =	sand.u32 $0x300, s0;
	s4 =	sadd.s32 s8, s10;
	[sflag:s26] =	ssyncadd.s32 $0xFFFFC000  }
0x88: {  	[spmem:s3] =	stream.indirect.scatter.add.f32 [tilespmem:s20], [sflag:$0x3], $0x80, s22, s22, $0xb8;
	[tilespmem:$0x1C200] =	vst v63  }
0x89: {  	s0 =	sor.u32 s11, s4;
	_ =	swait.ge [sflag:s28], $0x4000  }
0x8a: {  	s0 =	sshrl.u32 s0, $0x3;
	[sflag:s28] =	ssyncset.done $0x0  }
0x8b: {  	s7 =	sadd.s32 s1, s0;
	[sflag:s28] =	ssyncadd.s32 $0xFFFFC000  }
0x8c: {  	[tilespmem:s5], [sflag:$0x5] =	stream.linear.gather [hbm4b:s7+s5], $0x80, $0x38;
	[tilespmem:$0x1C200] =	vst v63  }
0x8d: {  	_ =	swait.ge [sflag:s21], $0x80  }
0x8e: {  	[sflag:s21] =	ssyncset.done $0x0  }
0x8f: {  	s0 =	sadd.s32 s2, s0;
	[sflag:s21] =	ssyncadd.s32 $0xFFFFFF80  }
0x90: {  	[tilespmem:s22], [sflag:$0x5] =	stream.linear.gather [hbm4b:s0+s5], $0x80, $0x38;
	[tilespmem:$0x1C200] =	vst v63  }
0x91: {  	_ =	swait.ge [sflag:s21], $0x80  }
0x92: {  	[sflag:s21] =	ssyncset.done $0x0  }
0x93: {  	[sflag:s21] =	ssyncadd.s32 $0xFFFFFF80  }
0x94: {  	[tilespmem:s20], [sflag:$0x1] =	stream.indirect.gather [hbm4b:s6+s22], $0x80, s5, s22, $0xb8;
	[tilespmem:$0x1C200] =	vst v63  }
0x95: {  	_ =	swait.ge [sflag:s29], $0x4000  }
0x96: {  	[sflag:s29] =	ssyncset.done $0x0  }
0x97: {  	[sflag:s29] =	ssyncadd.s32 $0xFFFFC000  }
0x98: {  	[spmem:s3] =	stream.indirect.scatter.add.f32 [tilespmem:s25], [sflag:$0x4], $0x80, s24, s22, $0xb8;
	[tilespmem:$0x1C200] =	vst v63  }
0x99: {  	_ =	swait.ge [sflag:s30], $0x4000  }
0x9a: {  	[sflag:s30] =	ssyncset.done $0x0  }
0x9b: {  	[sflag:s30] =	ssyncadd.s32 $0xFFFFC000  }
0x9c: {  	[tilespmem:s23], [sflag:$0x5] =	stream.linear.gather [hbm4b:s14+s5], $0x80, $0x38;
	[tilespmem:$0x1C200] =	vst v63  }
0x9d: {  	_ =	swait.ge [sflag:s21], $0x80  }
0x9e: {  	[sflag:s21] =	ssyncset.done $0x0  }
0x9f: {  	[sflag:s21] =	ssyncadd.s32 $0xFFFFFF80  }
0xa0: {  	[tilespmem:s24], [sflag:$0x5] =	stream.linear.gather [hbm4b:s19+s5], $0x80, $0x38;
	[tilespmem:$0x1C200] =	vst v63  }
0xa1: {  	_ =	swait.ge [sflag:s21], $0x80  }
0xa2: {  	[sflag:s21] =	ssyncset.done $0x0  }
0xa3: {  	[sflag:s21] =	ssyncadd.s32 $0xFFFFFF80  }
0xa4: {  	[tilespmem:s25], [sflag:$0x2] =	stream.indirect.gather [hbm4b:s6+s22], $0x80, s23, s22, $0xb8;
	[tilespmem:$0x1C200] =	vst v63  }
0xa5: {  	_ =	swait.ge [sflag:s26], $0x4000  }
0xa6: {  	[sflag:s26] =	ssyncset.done $0x0  }
0xa7: {  	[sflag:s26] =	ssyncadd.s32 $0xFFFFC000  }
0xa8: {  	[spmem:s3] =	stream.indirect.scatter.add.f32 [tilespmem:s20], [sflag:$0x3], $0x80, s22, s22, $0xb8;
	[tilespmem:$0x1C200] =	vst v63  }
0xa9: {  	_ =	swait.ge [sflag:s28], $0x4000  }
0xaa: {  	[sflag:s28] =	ssyncset.done $0x0  }
0xab: {  	[sflag:s28] =	ssyncadd.s32 $0xFFFFC000  }
0xac: {  	_ =	swait.ge [sflag:s29], $0x4000  }
0xad: {  	[sflag:s29] =	ssyncset.done $0x0  }
0xae: {  	[sflag:s29] =	ssyncadd.s32 $0xFFFFC000  }
0xaf: {  	[spmem:s3] =	stream.indirect.scatter.add.f32 [tilespmem:s25], [sflag:$0x4], $0x80, s24, s22, $0xb8;
	[tilespmem:$0x1C200] =	vst v63  }
0xb0: {  	s31 =	sadd.s32 $0x1, s31;
	_ =	swait.ge [sflag:s30], $0x4000  }
0xb1: {  	p0 =	sne.s32 s31, s13;
	s10 =	stileid.u32;
	[sflag:s30] =	ssyncset.done $0x0  }
0xb2: {  	s11 =	sshrl.u32 s9, $0x3;
	s0 =	sshll.u32 s10, $0x6;
	[sflag:s30] =	ssyncadd.s32 $0xFFFFC000  }
.Ltmp1:
0xb3: {  	s0 =	sor.u32 $0x1C05, s0;
	[bflag:$0x0] =	sbarrier.arrive $0xFFFF;
	(pc) =	sbr.rel @p0 .LBB2_1-.Ltmp1, $4  }
0xb4: {  	[hbm:s12], [sflag:s0] =	dma.local [spmem:s11], $0x2800  }
0xb5: {  	_ =	swait.ge [sflag:s21], $0x2800  }
0xb6: {  	[sflag:s21] =	ssyncset.done $0x0  }
0xb7: {  	[sflag:s21] =	ssyncadd.s32 $0xFFFFD800  }
0xb8: {  	_ =	sfence.sel $0x180000  }
0xb9: {  	[bflag:$0x0] =	sbarrier.arrive $0xFFFF  }
0xba: {  	_ =	strace $0x9000004D  }
0xbb: {  	s0 =	stileid.u32;
	[bflag:$0x2] =	sbarrier.arrive $0xFFFF  }
0xbc: {  	p0 =	sne.s32 s0, $0x0;
	s0 =	rddreg [dreg:$0x4]  }
0xbd: {  	s0 =	sadd.s32 @!p0 $0x100000, s0  }
0xbe: {  	[sflag:s0] =	ssyncadd.tile.s32 @!p0 $0x1;
	_ =	shalt  }
.Lfunc_end2:
_tile_overlayer_lowered:
.L_overlay_start_2:
0xbf: {  	(tag) =	ssettag $0x2  }
0xc0: {  	s0 =	rddreg [dreg:$0x0];
	s2 =	stileid.u32  }
0xc1: {  	s1 =	rddreg [dreg:$0x1];
	p0 =	sne.s32 s2, $0x0  }
0xc2: {  	s3 =	rddreg [dreg:$0x2];
	[bflag:$0x3] =	sbarrier.arrive $0xFFFF;
	s2 =	simm.s32 @!p0 $0x1C05  }
0xc3: {  	[timem:s3], [sflag:s2] =	dma.local @!p0 [hbm:s0], s1  }
0xc4: {  	s0 =	simm.s32 @!p0 $0x5  }
0xc5: {  	_ =	swait.ge @!p0 [sflag:s0], s1  }
0xc6: {  	s1 =	ssub.s32 @!p0 $0x0, s1;
	[sflag:s0] =	ssyncset.done @!p0 $0x0  }
0xc7: {  	[sflag:s0] =	ssyncadd.s32 @!p0 s1  }
0xc8: {  	[bflag:$0x3] =	sbarrier.arrive $0xFFFF  }
0xc9: {  	_ =	shalt  }

// kernel: kernel.8.cloned.1.call-start
scs
__scs_entry_jumppad:
0x0: {  	(pc) =	sbr.rel $0x88, $3  }
0x1: {  	(tag) =	ssettag $0x0;
	lr =	simm.s32 $0x1  }
0x2: {  	[smem:$0x3F9B] =	sst lr;
	_ =	strace $0xD0000000  }
0x3: {  	_ = 	snop  }
0x4: {  	_ = 	snop  }
0x5: {  	_ = 	snop  }
0x6: {  	_ = 	snop  }
0x7: {  	_ = 	snop  }
__scs_overlays_trampoline_lowered:
0x8: {  	[smem:$0x3FAA] =	sst s0  }
0x9: {  	[smem:$0x3FAB] =	sst s1  }
0xa: {  	[smem:$0x3FAC] =	sst s2  }
0xb: {  	[smem:$0x3FAD] =	sst s3  }
0xc: {  	[smem:$0x3FAE] =	sst s4  }
0xd: {  	[smem:$0x3FAF] =	sst s5  }
0xe: {  	[smem:$0x3FB0] =	sst s6  }
0xf: {  	[smem:$0x3FB1] =	sst s7  }
0x10: {  	[smem:$0x3FB2] =	sst s8  }
0x11: {  	[smem:$0x3FB3] =	sst s9;
	s0 =	simm.s32 @!p0 $0x0  }
0x12: {  	s1 =	sld [smem:$0x3F99];
	s0 =	simm.s32 @p0 $0x1  }
0x13: {  	[smem:$0x3FB4] =	sst s0;
	s0 =	simm.s32 @!p1 $0x0  }
0x14: {  	s2 =	sld [smem:$0x3F98];
	s0 =	simm.s32 @p1 $0x1  }
0x15: {  	[smem:$0x3FB5] =	sst s0;
	s0 =	simm.s32 @!p2 $0x0  }
0x16: {  	s3 =	sld [smem:$0x3FDB];
	s0 =	simm.s32 @p2 $0x1  }
0x17: {  	s4 =	simm.s32 $0x1BF5;
	[smem:$0x3FB7] =	sst s0  }
0x18: {  	s0 =	sld [smem:$0x3F9A];
	_ =	swait.ge [sflag:s4], $0x0  }
0x19: {  	s7 =	sld [smem:$0x3F9B]  }
0x1a: {  	s8 =	sadd.s32 $0xFFFFE003, lr  }
0x1b: {  	s9 =	sadd.s32 $0xFFFFFEF7, lr;
	s5 =	simm.s32 $0xFFFFFFFF;
	p2 =	slt.u32 s8, $0xFFFFF086  }
0x1c: {  	p1 =	slt.u32 s9, $0xF7A;
	s5 =	simm.s32 @!p2 $0x0  }
0x1d: {  	s5 =	simm.s32 @p1 $0x1;
	p0 =	seq.s32 s7, s2  }
0x1e: {  	s7 =	smul.u32 @!p0 $0xF7A, s2;
	p2 =	seq.s32 @!p0 s5, $0x0  }
0x1f: {  	s9 =	smul.u32 $0xF7A, s1;
	s8 =	simm.s32 @!p0 $0x1BF5;
	p2 =	por !p2, p0  }
0x20: {  	[sflag:s8] =	ssyncset.s32 @!p0 $0xFFFFF086;
	s6 =	sadd.s32 @!p0 s3, s7;
	s7 =	simm.s32 @!p0 $0x108  }
0x21: {  	s3 =	sadd.s32 s3, s9;
	s6 =	sadd.s32 @!p0 $0x88, s6;
	s7 =	simm.s32 @p2 $0x1082  }
0x22: {  	[simem:s7], [sflag:s8] =	dma.local @!p0 [hbm:s6], $0xF7A  }
0x23: {  	s9 =	sor.u32 $0xD0000000, s2;
	s6 =	simm.s32 $0x108;
	_ =	swait.ge @!p0 [sflag:s8], $0x0  }
0x24: {  	s3 =	sadd.s32 $0x88, s3;
	s6 =	simm.s32 @!p1 $0x1082;
	[sflag:s4] =	ssyncset.s32 $0xFFFFF086  }
0x25: {  	[simem:s6], [sflag:s4] =	dma.local [hbm:s3], $0xF7A  }
0x26: {  	[smem:$0x3F9B] =	sst s1;
	(tag) =	ssettag s2;
	_ =	strace s9  }
0x27: {  	s1 =	sld [smem:$0x3FAB]  }
0x28: {  	s2 =	sld [smem:$0x3FAC]  }
0x29: {  	s4 =	sld [smem:$0x3FAE]  }
0x2a: {  	p0 =	seq.s32 s5, $0x0;
	s5 =	sld [smem:$0x3FAF]  }
0x2b: {  	s6 =	sld [smem:$0x3FB0]  }
0x2c: {  	s7 =	sld [smem:$0x3FB1]  }
0x2d: {  	s3 =	simm.s32 $0x108;
	s8 =	sld [smem:$0x3FB2]  }
0x2e: {  	s3 =	simm.s32 @!p0 $0x1082;
	s9 =	sld [smem:$0x3FB3]  }
0x2f: {  	lr =	sadd.s32 s0, s3;
	s0 =	sld [smem:$0x3FAA]  }
0x30: {  	s3 =	sld [smem:$0x3FAD]  }
0x31: {  	[smem:$0x3FB6] =	sst s10  }
0x32: {  	s10 =	sld [smem:$0x3FB4];
	_ =	sdelay $0x3  }
0x33: {  	p0 =	seq.s32 s10, $0x1;
	s10 =	sld [smem:$0x3FB6];
	_ =	sdelay $0x3  }
0x34: {  	[smem:$0x3FB6] =	sst s10  }
0x35: {  	s10 =	sld [smem:$0x3FB5];
	_ =	sdelay $0x3  }
0x36: {  	p1 =	seq.s32 s10, $0x1;
	s10 =	sld [smem:$0x3FB6];
	_ =	sdelay $0x3  }
0x37: {  	[smem:$0x3FB6] =	sst s10  }
0x38: {  	s10 =	sld [smem:$0x3FB7]  }
0x39: {  	_ = 	snop;
	(pc) =	sbr.ind lr, $3  }
0x3a: {  	_ = 	snop  }
0x3b: {  	_ = 	snop  }
0x3c: {  	p2 =	seq.s32 s10, $0x1;
	s10 =	sld [smem:$0x3FB6]  }
0x3d: {  	_ =	shalt  }
0x3e: {  	_ =	shalt  }
0x3f: {  	_ =	shalt  }
0x40: {  	_ =	shalt  }
0x41: {  	_ =	shalt  }
0x42: {  	_ =	shalt  }
0x43: {  	_ =	shalt  }
0x44: {  	_ =	shalt  }
0x45: {  	_ =	shalt  }
0x46: {  	_ =	shalt  }
0x47: {  	_ =	shalt  }
0x48: {  	_ =	shalt  }
0x49: {  	_ =	shalt  }
0x4a: {  	_ =	shalt  }
0x4b: {  	_ =	shalt  }
0x4c: {  	_ =	shalt  }
0x4d: {  	_ =	shalt  }
0x4e: {  	_ =	shalt  }
0x4f: {  	_ =	shalt  }
0x50: {  	_ =	shalt  }
0x51: {  	_ =	shalt  }
0x52: {  	_ =	shalt  }
0x53: {  	_ =	shalt  }
0x54: {  	_ =	shalt  }
0x55: {  	_ =	shalt  }
0x56: {  	_ =	shalt  }
0x57: {  	_ =	shalt  }
0x58: {  	_ =	shalt  }
0x59: {  	_ =	shalt  }
0x5a: {  	_ =	shalt  }
0x5b: {  	_ =	shalt  }
0x5c: {  	_ =	shalt  }
0x5d: {  	_ =	shalt  }
0x5e: {  	_ =	shalt  }
0x5f: {  	_ =	shalt  }
0x60: {  	_ =	shalt  }
0x61: {  	_ =	shalt  }
0x62: {  	_ =	shalt  }
0x63: {  	_ =	shalt  }
0x64: {  	_ =	shalt  }
0x65: {  	_ =	shalt  }
0x66: {  	_ =	shalt  }
0x67: {  	_ =	shalt  }
0x68: {  	_ =	shalt  }
0x69: {  	_ =	shalt  }
0x6a: {  	_ =	shalt  }
0x6b: {  	_ =	shalt  }
0x6c: {  	_ =	shalt  }
0x6d: {  	_ =	shalt  }
0x6e: {  	_ =	shalt  }
0x6f: {  	_ =	shalt  }
0x70: {  	_ =	shalt  }
0x71: {  	_ =	shalt  }
0x72: {  	_ =	shalt  }
0x73: {  	_ =	shalt  }
0x74: {  	_ =	shalt  }
0x75: {  	_ =	shalt  }
0x76: {  	_ =	shalt  }
0x77: {  	_ =	shalt  }
0x78: {  	_ =	shalt  }
0x79: {  	_ =	shalt  }
0x7a: {  	_ =	shalt  }
0x7b: {  	_ =	shalt  }
0x7c: {  	_ =	shalt  }
0x7d: {  	_ =	shalt  }
0x7e: {  	_ =	shalt  }
0x7f: {  	_ =	shalt  }
0x80: {  	_ =	shalt  }
0x81: {  	_ =	shalt  }
0x82: {  	_ =	shalt  }
0x83: {  	_ =	shalt  }
0x84: {  	_ =	shalt  }
0x85: {  	_ =	shalt  }
0x86: {  	_ =	shalt  }
0x87: {  	_ =	shalt  }
.Lfunc_end0:
.L_simem_size_0:
called_computation_lowered:
.L_overlay_start_0:
0x88: {  	s2 =	sld [smem:$0x3FD9]  }
0x89: {  	s3 =	sld [smem:$0x3FFE];
	_ =	sdelay $0x1  }
0x8a: {  	s1 =	srdreg.scid  }
0x8b: {  	s0 =	sand.u32 $0x1, s1  }
0x8c: {  	s14 =	sshll.u32 s0, $0xA;
	s2 =	sadd.s32 s3, s2  }
0x8d: {  	s2 =	sadd.s32 s2, s14  }
0x8e: {  	[smem:$0x3FC2] =	sst s2  }
0x8f: {  	_ = 	snop  }
0x90: {  	s2 =	sld [smem:$0x3FD0];
	_ =	sdelay $0x2  }
0x91: {  	s15 =	simm.s32 $0xA;
	s4 =	simm.s32 $0x10  }
0x92: {  	[smem:s4], [sflag:s15] =	dma.local [hbm:s2], $0x1  }
0x93: {  	_ =	swait.eq [sflag:s15], $0x1  }
0x94: {  	[sflag:s15] =	ssyncset.done $0x0  }
0x95: {  	[sflag:s15] =	ssyncadd.s32 $0xFFFFFFFF  }
0x96: {  	s16 =	sld [smem:$0x11];
	(tm) =	ssettm $0x1  }
0x97: {  	s17 =	sld [smem:$0x3FFB];
	_ =	sdelay $0x3  }
0x98: {  	_ =	strace s17  }
0x99: {  	s3 =	sld [smem:$0x3FFC];
	_ =	sdelay $0x3  }
0x9a: {  	_ =	strace s3  }
0x9b: {  	s3 =	sld [smem:$0x3FFD];
	_ =	sdelay $0x3  }
0x9c: {  	_ =	strace s3  }
0x9d: {  	_ =	strace $0x8FFFFFFF  }
0x9e: {  	s18 =	sld [smem:$0x3FDB];
	_ =	sdelay $0x1  }
0x9f: {  	s19 =	simm.s32 $_scs_section_size  }
0xa0: {  	s5 =	simm.s32 $_size__tile_overlayer_lowered;
	s6 =	simm.s32 $_tile_overlayer_lowered  }
0xa1: {  	s22 =	simm.s32 $0x1BFF;
	s21 =	sshll.u32 s6, $0x1;
	s3 =	sadd.s32 s19, s18  }
0xa2: {  	s7 =	simm.s32 $0x0;
	s20 =	sshll.u32 s5, $0x1;
	s5 =	sadd.s32 s21, s3  }
0xa3: {  	[timem:s7], [sflag:s22] =	dma.local [hbm:s5], s20  }
0xa4: {  	_ =	swait.ge [sflag:s22], s20  }
0xa5: {  	s4 =	ssub.s32 $0x0, s20;
	[sflag:s22] =	ssyncset.done $0x0  }
0xa6: {  	[sflag:s22] =	ssyncadd.s32 s4;
	_ =	sdelay $0x1  }
0xa7: {  	s23 =	simm.s32 $0x1B8B  }
0xa8: {  	_ =	swait.ge [sflag:s23], $0x1  }
0xa9: {  	[sflag:s23] =	ssyncset.done $0x0  }
0xaa: {  	s25 =	simm.s32 $0x1B8E;
	s24 =	sld [smem:$0x3FFE];
	[sflag:s23] =	ssyncadd.s32 $0xFFFFFFFF  }
0xab: {  	s26 =	simm.s32 $execute0_lowered;
	[smem:$0x3FD2] =	sst s25  }
0xac: {  	s5 =	sshll.u32 s26, $0x1;
	_ =	strace $0x80000046;
	[dreg:$0x1] =	wrdreg $0xFFFFFFFF  }
0xad: {  	s28 =	simm.s32 $_size_execute0_lowered;
	s3 =	sadd.s32 s3, s5;
	[dreg:$0x0] =	wrdreg $0x0  }
0xae: {  	s5 =	sshll.u32 s28, $0x1;
	[dreg:$0x2] =	wrdreg s3  }
0xaf: {  	[dreg:$0x3] =	wrdreg s5  }
0xb0: {  	[dreg:$0x4] =	wrdreg $0xC0  }
0xb1: {  	_ =	task [dreg:s7], $0x5FFFF  }
0xb2: {  	[dreg:$0x1] =	wrdreg $0xFFFFFFFF  }
0xb3: {  	[dreg:$0x0] =	wrdreg $0x60  }
0xb4: {  	[dreg:$0x2] =	wrdreg s16  }
0xb5: {  	[dreg:$0x3] =	wrdreg s24  }
0xb6: {  	[dreg:$0x4] =	wrdreg $0x40800  }
0xb7: {  	[dreg:$0x5] =	wrdreg $0x9  }
0xb8: {  	_ =	task.clear_ibuf [dreg:s7], $0x6FFFF;
	_ =	strace $0x90000046  }
0xb9: {  	s29 =	simm.s32 $0x9;
	_ =	strace $0x80000048  }
0xba: {  	_ =	swait.ge [sflag:s29], $0x1  }
0xbb: {  	[sflag:s29] =	ssyncadd.s32 $0xFFFFFFFF  }
0xbc: {  	_ =	strace $0x90000048  }
0xbd: {  	_ =	sfence  }
0xbe: {  	s30 =	sld [smem:$0x0];
	_ =	sdelay $0x2  }
0xbf: {  	s31 =	sshll.u32 s1, $0xD;
	s1 =	sshrl.u32 s1, $0x2  }
0xc0: {  	s3 =	sand.u32 $0x4000, s31;
	s1 =	sadd.s32 s1, s30  }
0xc1: {  	s0 =	sor.u32 s3, s0;
	s1 =	sshll.u32 s1, $0x11  }
0xc2: {  	s0 =	sor.u32 s1, s0  }
0xc3: {  	s0 =	sadd.s32 $0x8F2B, s0  }
0xc4: {  	[sflag:s0] =	ssyncadd.remote.s32 $0x1  }
0xc5: {  	_ =	sfence.sel $0xFFFF  }
0xc6: {  	[dreg:$0x0] =	wrdreg $0xFFFFFFFF;
	(pc) =	sbr.abs _section_cstart, $3  }
0xc7: {  	[dreg:$0x1] =	wrdreg $0xFFFFFFFF  }
0xc8: {  	_ =	task.clear_ibuf [dreg:s7], $0x2FFFF;
	_ =	strace $0x9FFFFFFF  }
0xc9: {  	(tm) =	ssettm $0x7FFFFFFF  }
tec
execute0_lowered:
.L_overlay_start_1:
0x0: {  	(tag) =	ssettag $0x1  }
0x1: {  	s1 =	rddreg [dreg:$0x0]  }
0x2: {  	s7 =	rddreg [dreg:$0x1]  }
0x3: {  	s2 =	rddreg [dreg:$0x2]  }
0x4: {  	s3 =	srdreg.scid;
	s0 =	rddreg [dreg:$0x3]  }
0x5: {  	s4 =	simm.s32 $0x0;
	s15 =	simm.s32 $0x80;
	s8 =	sand.u32 $0x1, s3  }
0x6: {  	s16 =	simm.s32 $0x1;
	s3 =	stileid.u32;
	s9 =	smul.u32 $0x140000, s8  }
0x7: {  	s19 =	simm.s32 $0x0;
	[smem:$0x7FF] =	sst s4;
	s10 =	smul.u32 $0x14000, s3  }
0x8: {  	s5 =	sadd.s32 $0x2800, s7;
	s6 =	sadd.s32 $0x3000, s7;
	s11 =	smul.u32 $0x50000, s3  }
0x9: {  	_ =	strace $0x80000047;
	s30 =	smul.u32 $0x28000, s8;
	s8 =	ssub.s32 $0x2, s8  }
0xa: {  	s12 =	smul.u32 $0x2800, s3;
	s17 =	sshll.u32 s3, $0x6;
	s31 =	sshrl.u32 s8, $0x1  }
0xb: {  	s17 =	sor.u32 $0x1C01, s17;
	s9 =	sadd.s32 s10, s9;
	s11 =	sshrl.u32 s11, $0x2  }
0xc: {  	s13 =	ssub.s32 s8, s31;
	s8 =	sadd.s32 s12, s30;
	s9 =	sshrl.u32 s9, $0x3  }
0xd: {  	s10 =	smax.u32 s13, $0x1;
	s9 =	sadd.s32 s9, s7;
	s7 =	sadd.s32 s11, s2  }
0xe: {  	s9 =	sadd.s32 $0x3800, s9;
	s11 =	sadd.s32 $0x4000, s7;
	s12 =	sadd.s32 $0x8000, s7  }
0xf: {  	s13 =	sadd.s32 $0xC000, s7;
	s14 =	sadd.s32 $0x10000, s7;
	s18 =	sshrl.u32 s7, $0x3  }
.LBB2_1:
0x10: {  	[tilespmem:s15], [sflag:$0x1] =	stream.linear.gather [hbm4b:s6+s4], $0x4000, $0x38;
	[tilespmem:$0x18080] =	vst v63  }
0x11: {  	_ =	swait.ge [sflag:s16], $0x4000  }
0x12: {  	[sflag:s16] =	ssyncset.done $0x0  }
0x13: {  	[sflag:s16] =	ssyncadd.s32 $0xFFFFC000  }
0x14: {  	[tilespmem:s15], [sflag:$0x1] =	stream.linear.gather [hbm4b:s5+s4], $0x4000, $0x38;
	[tilespmem:$0x18080] =	vst v63  }
0x15: {  	_ =	swait.ge [sflag:s16], $0x4000  }
0x16: {  	[sflag:s16] =	ssyncset.done $0x0  }
0x17: {  	[sflag:s16] =	ssyncadd.s32 $0xFFFFC000  }
0x18: {  	[spmem:s7] =	stream.linear.scatter [tilespmem:s15], [sflag:$0x1], $0x4000, $0x38;
	[tilespmem:$0x18080] =	vst v63  }
0x19: {  	_ =	swait.ge [sflag:s16], $0x4000  }
0x1a: {  	[sflag:s16] =	ssyncset.done $0x0  }
0x1b: {  	[sflag:s16] =	ssyncadd.s32 $0xFFFFC000  }
0x1c: {  	[spmem:s11] =	stream.linear.scatter [tilespmem:s15], [sflag:$0x1], $0x4000, $0x38;
	[tilespmem:$0x18080] =	vst v63  }
0x1d: {  	_ =	swait.ge [sflag:s16], $0x4000  }
0x1e: {  	[sflag:s16] =	ssyncset.done $0x0  }
0x1f: {  	[sflag:s16] =	ssyncadd.s32 $0xFFFFC000  }
0x20: {  	[spmem:s12] =	stream.linear.scatter [tilespmem:s15], [sflag:$0x1], $0x4000, $0x38;
	[tilespmem:$0x18080] =	vst v63  }
0x21: {  	_ =	swait.ge [sflag:s16], $0x4000  }
0x22: {  	[sflag:s16] =	ssyncset.done $0x0  }
0x23: {  	[sflag:s16] =	ssyncadd.s32 $0xFFFFC000  }
0x24: {  	[spmem:s13] =	stream.linear.scatter [tilespmem:s15], [sflag:$0x1], $0x4000, $0x38;
	[tilespmem:$0x18080] =	vst v63  }
0x25: {  	_ =	swait.ge [sflag:s16], $0x4000  }
0x26: {  	[sflag:s16] =	ssyncset.done $0x0  }
0x27: {  	[sflag:s16] =	ssyncadd.s32 $0xFFFFC000  }
0x28: {  	[spmem:s14] =	stream.linear.scatter [tilespmem:s15], [sflag:$0x1], $0x4000, $0x38;
	[tilespmem:$0x18080] =	vst v63  }
0x29: {  	_ =	swait.ge [sflag:s16], $0x4000  }
0x2a: {  	[sflag:s16] =	ssyncset.done $0x0  }
0x2b: {  	s20 =	sand.u32 $0x3C00, s4;
	[sflag:s16] =	ssyncadd.s32 $0xFFFFC000  }
0x2c: {  	[tilespmem:s15], [sflag:$0x1] =	stream.linear.gather [hbm4b:s6+s4], $0x4000, $0x38;
	[tilespmem:$0x18080] =	vst v63  }
0x2d: {  	s21 =	sand.u32 $0x380, s4;
	s20 =	sadd.s32 s20, s8;
	_ =	swait.ge [sflag:s16], $0x4000  }
0x2e: {  	s20 =	sor.u32 s21, s20;
	[sflag:s16] =	ssyncset.done $0x0  }
0x2f: {  	s20 =	sshrl.u32 s20, $0x3;
	[sflag:s16] =	ssyncadd.s32 $0xFFFFC000  }
0x30: {  	s20 =	sadd.s32 s1, s20;
	[bflag:$0x0] =	sbarrier.arrive $0xFFFF  }
0x31: {  	[tilespmem:s4], [sflag:$0x1] =	stream.linear.gather [hbm4b:s20+s4], $0x80, $0x38;
	[tilespmem:$0x18080] =	vst v63  }
0x32: {  	_ =	swait.ge [sflag:s16], $0x80  }
0x33: {  	s30 =	simm.s32 $0x80;
	[sflag:s16] =	ssyncset.done $0x0  }
0x34: {  	s31 =	sand.u32 $0x3C00, s30;
	[sflag:s16] =	ssyncadd.s32 $0xFFFFFF80  }
0x35: {  	[spmem:s2] =	stream.indirect.scatter.add.f32 [tilespmem:s15], [sflag:$0x1], $0x80, s4, s15, $0xb8;
	[tilespmem:$0x18080] =	vst v63  }
0x36: {  	s22 =	sand.u32 $0x380, s30;
	s21 =	sadd.s32 s31, s8;
	_ =	swait.ge [sflag:s16], $0x4000  }
0x37: {  	s21 =	sor.u32 s22, s21;
	s20 =	simm.s32 $0x100;
	[sflag:s16] =	ssyncset.done $0x0  }
.LBB2_2:
0x38: {  	s21 =	sshrl.u32 s21, $0x3  }
0x39: {  	[sflag:s16] =	ssyncadd.s32 $0xFFFFC000;
	s22 =	smov.u32 s20;
	s23 =	sadd.s32 $0x80, s20  }
0x3a: {  	p0 =	sne.s32 s20, $0x2780;
	s20 =	sadd.s32 s1, s21  }
0x3b: {  	[tilespmem:s4], [sflag:$0x1] =	stream.linear.gather [hbm4b:s20+s4], $0x80, $0x38;
	[tilespmem:$0x18080] =	vst v63  }
0x3c: {  	_ =	swait.ge [sflag:s16], $0x80  }
.Ltmp0:
0x3d: {  	[sflag:s16] =	ssyncset.done $0x0;
	(pc) =	sbr.rel @p0 .LBB2_2-.Ltmp0, $4  }
0x3e: {  	s20 =	sand.u32 $0x3C00, s22;
	[sflag:s16] =	ssyncadd.s32 $0xFFFFFF80  }
0x3f: {  	[spmem:s2] =	stream.indirect.scatter.add.f32 [tilespmem:s15], [sflag:$0x1], $0x80, s4, s15, $0xb8;
	[tilespmem:$0x18080] =	vst v63  }
0x40: {  	s21 =	sand.u32 $0x380, s22;
	s20 =	sadd.s32 s20, s8;
	_ =	swait.ge [sflag:s16], $0x4000  }
0x41: {  	s21 =	sor.u32 s21, s20;
	s20 =	smov.u32 s23;
	[sflag:s16] =	ssyncset.done $0x0  }
0x42: {  	s20 =	sshrl.u32 s21, $0x3  }
0x43: {  	[sflag:s16] =	ssyncadd.s32 $0xFFFFC000;
	s20 =	sadd.s32 s1, s20  }
0x44: {  	[tilespmem:s4], [sflag:$0x1] =	stream.linear.gather [hbm4b:s20+s4], $0x80, $0x38;
	[tilespmem:$0x18080] =	vst v63  }
0x45: {  	_ =	swait.ge [sflag:s16], $0x80  }
0x46: {  	[sflag:s16] =	ssyncset.done $0x0  }
0x47: {  	[sflag:s16] =	ssyncadd.s32 $0xFFFFFF80  }
0x48: {  	[spmem:s2] =	stream.indirect.scatter.add.f32 [tilespmem:s15], [sflag:$0x1], $0x80, s4, s15, $0xb8;
	[tilespmem:$0x18080] =	vst v63  }
0x49: {  	_ =	swait.ge [sflag:s16], $0x4000  }
0x4a: {  	s19 =	sadd.s32 $0x1, s19;
	[sflag:s16] =	ssyncset.done $0x0  }
0x4b: {  	p0 =	sne.s32 s19, s10;
	[sflag:s16] =	ssyncadd.s32 $0xFFFFC000  }
.Ltmp1:
0x4c: {  	[bflag:$0x0] =	sbarrier.arrive $0xFFFF;
	(pc) =	sbr.rel @p0 .LBB2_1-.Ltmp1, $4  }
0x4d: {  	[hbm:s9], [sflag:s17] =	dma.local [spmem:s18], $0x2800  }
0x4e: {  	_ =	swait.ge [sflag:s16], $0x2800  }
0x4f: {  	[sflag:s16] =	ssyncset.done $0x0  }
0x50: {  	[sflag:s16] =	ssyncadd.s32 $0xFFFFD800  }
0x51: {  	_ =	sfence.sel $0x180000  }
0x52: {  	[bflag:$0x0] =	sbarrier.arrive $0xFFFF  }
0x53: {  	p0 =	sne.s32 s3, $0x0;
	_ =	strace $0x90000047  }
0x54: {  	s0 =	sadd.s32 @!p0 $0x100000, s0;
	[bflag:$0x2] =	sbarrier.arrive $0xFFFF  }
0x55: {  	[sflag:s0] =	ssyncadd.tile.s32 @!p0 $0x1;
	_ =	shalt  }
.Lfunc_end2:
_tile_overlayer_lowered:
.L_overlay_start_2:
0x56: {  	(tag) =	ssettag $0x2  }
0x57: {  	s0 =	rddreg [dreg:$0x0];
	s2 =	stileid.u32  }
0x58: {  	s1 =	rddreg [dreg:$0x1];
	p0 =	sne.s32 s2, $0x0  }
0x59: {  	s3 =	rddreg [dreg:$0x2];
	[bflag:$0x3] =	sbarrier.arrive $0xFFFF;
	s2 =	simm.s32 @!p0 $0x1C01  }
0x5a: {  	[timem:s3], [sflag:s2] =	dma.local @!p0 [hbm:s0], s1  }
0x5b: {  	s0 =	simm.s32 @!p0 $0x1  }
0x5c: {  	_ =	swait.ge @!p0 [sflag:s0], s1  }
0x5d: {  	s1 =	ssub.s32 @!p0 $0x0, s1;
	[sflag:s0] =	ssyncset.done @!p0 $0x0  }
0x5e: {  	[sflag:s0] =	ssyncadd.s32 @!p0 s1  }
0x5f: {  	[bflag:$0x3] =	sbarrier.arrive $0xFFFF  }
0x60: {  	_ =	shalt  }

</sc_bundles>
